<compile_context>
chip_gen: v7x
topology: tpu7x:2x2x1
jax: 0.10.2.dev20260603
libtpu: 0.0.44.dev20260713+nightly
codegen_flags: <defaults>
</compile_context>

<pallas_src>
import jax
import jax.numpy as jnp
from jax import lax
from jax.experimental import pallas as pl
from jax.experimental.pallas import tpu as pltpu
from jax.experimental.pallas import tpu_sc as plsc

_N_CLS = 1000
_ROWS = 16384
_SCALE = 1.0 / (_ROWS * _N_CLS)

_TC_NJ = 896
_SC_J0 = _TC_NJ
_SC_NJ = _N_CLS - _TC_NJ

_BJ = 8
_NSTREAM = 28
_TC_GRID = _TC_NJ // (_BJ * _NSTREAM)

_NC, _NS, _L = 2, 16, 16
_NW = _NC * _NS
_CPW = _ROWS // _NW
_CJ = 8
_NCHS = _SC_NJ // _CJ


def _tc_body(t_ref, *rest):
    p_refs, o_ref = rest[:_NSTREAM], rest[_NSTREAM]
    i = pl.program_id(0)
    t = t_ref[...]
    partial = jnp.float32(0.0)
    for s, p_ref in enumerate(p_refs):
        base = (_NSTREAM * i + s) * _BJ
        j = lax.broadcasted_iota(jnp.int32, (_BJ, _ROWS), 0) + base
        w = jnp.abs(j.astype(jnp.float32) - t) * jnp.float32(_SCALE)
        partial += jnp.sum(w * p_ref[...])

    @pl.when(i == 0)
    def _init():
        o_ref[0, 0] = 0.0

    o_ref[0, 0] += partial


def _chunk_cost(buf, t_v, j0f, acc):
    def col_chunk(cc, acc):
        t16 = t_v[pl.ds(cc * _L, _L)]
        jv = jnp.full((_L,), j0f, jnp.float32)
        acc0 = acc
        acc1 = jnp.zeros((_L,), jnp.float32)
        for r in range(_CJ):
            p16 = buf[r, pl.ds(cc * _L, _L)]
            if r % 2 == 0:
                acc0 = acc0 + jnp.abs(jv - t16) * p16
            else:
                acc1 = acc1 + jnp.abs(jv - t16) * p16
            jv = jv + jnp.float32(1.0)
        return acc0 + acc1

    return lax.fori_loop(0, _CPW // _L, col_chunk, acc)


def _sc_body(pt_hbm, t_hbm, out_hbm, t_v, buf0, buf1, acc_v, sem0, sem1):
    cid = lax.axis_index("c")
    sid = lax.axis_index("s")
    wid = sid * _NC + cid
    col0 = wid * _CPW

    pltpu.sync_copy(t_hbm.at[pl.ds(col0, _CPW)], t_v)
    pltpu.async_copy(
        pt_hbm.at[pl.ds(_SC_J0, _CJ), pl.ds(col0, _CPW)], buf0, sem0)
    pltpu.async_copy(
        pt_hbm.at[pl.ds(_SC_J0 + _CJ, _CJ), pl.ds(col0, _CPW)], buf1, sem1)

    def pair(g2, acc):
        c0 = 2 * g2
        j0 = _SC_J0 + c0 * _CJ
        pltpu.make_async_copy(
            pt_hbm.at[pl.ds(j0, _CJ), pl.ds(col0, _CPW)], buf0, sem0).wait()
        acc = _chunk_cost(buf0, t_v, j0.astype(jnp.float32), acc)

        @pl.when(c0 + 2 < _NCHS)
        def _():
            pltpu.async_copy(
                pt_hbm.at[pl.ds(_SC_J0 + (c0 + 2) * _CJ, _CJ),
                          pl.ds(col0, _CPW)], buf0, sem0)

        j1 = _SC_J0 + (c0 + 1) * _CJ
        pltpu.make_async_copy(
            pt_hbm.at[pl.ds(j1, _CJ), pl.ds(col0, _CPW)], buf1, sem1).wait()
        acc = _chunk_cost(buf1, t_v, j1.astype(jnp.float32), acc)

        @pl.when(c0 + 3 < _NCHS)
        def _():
            pltpu.async_copy(
                pt_hbm.at[pl.ds(_SC_J0 + (c0 + 3) * _CJ, _CJ),
                          pl.ds(col0, _CPW)], buf1, sem1)

        return acc

    acc = lax.fori_loop(0, _NCHS // 2, pair, jnp.zeros((_L,), jnp.float32))
    if _NCHS % 2:
        jt = _SC_J0 + (_NCHS - 1) * _CJ
        pltpu.make_async_copy(
            pt_hbm.at[pl.ds(jt, _CJ), pl.ds(col0, _CPW)], buf0, sem0).wait()
        acc = _chunk_cost(buf0, t_v, jnp.float32(jt), acc)
    acc_v[...] = acc * jnp.float32(_SCALE)
    pltpu.sync_copy(acc_v, out_hbm.at[wid])


def kernel(output_probs, target_class):
    pt = output_probs.T
    t_f = target_class.astype(jnp.float32)

    mesh = plsc.VectorSubcoreMesh(core_axis_name="c", subcore_axis_name="s")
    sc_fn = pl.kernel(
        _sc_body,
        mesh=mesh,
        out_type=jax.ShapeDtypeStruct((_NW, _L), jnp.float32),
        scratch_types=[
            pltpu.VMEM((_CPW,), jnp.float32),
            pltpu.VMEM((_CJ, _CPW), jnp.float32),
            pltpu.VMEM((_CJ, _CPW), jnp.float32),
            pltpu.VMEM((_L,), jnp.float32),
            pltpu.SemaphoreType.DMA,
            pltpu.SemaphoreType.DMA,
        ],
    )
    sc_out = sc_fn(pt, t_f)

    t_row = t_f.reshape(1, _ROWS)
    in_specs = [pl.BlockSpec((1, _ROWS), lambda i: (0, 0))]
    for s in range(_NSTREAM):
        in_specs.append(
            pl.BlockSpec((_BJ, _ROWS), lambda i, s=s: (_NSTREAM * i + s, 0)))
    tc_out = pl.pallas_call(
        _tc_body,
        grid=(_TC_GRID,),
        in_specs=in_specs,
        out_specs=pl.BlockSpec(memory_space=pltpu.SMEM),
        out_shape=jax.ShapeDtypeStruct((1, 1), jnp.float32),
    )(t_row, *([pt] * _NSTREAM))
    return tc_out[0, 0] + jnp.sum(sc_out)

# --- scband reference (transcript-rebuilt; emitter-appended) ---
"""Pipeline reference for scband-otloss-80333068304554 (READ-ONLY COPY).

The authoritative reference and input builder live on the scoring server;
editing this copy changes nothing except your own understanding.
"""

import jax, jax.numpy as jnp
import numpy as np

N_CLASSES = 1000

def setup_inputs(seed: int = 0) -> dict:
    key = jax.random.key(seed)
    k1, k2 = jax.random.split(key)
    output_probs = jax.random.uniform(k1, (16384, N_CLASSES), dtype=jnp.float32)
    target_class = jax.random.randint(k2, (16384,), 0, N_CLASSES, dtype=jnp.int64)
    return {"output_probs": output_probs, "target_class": target_class}

def reference(output_probs, target_class):
    n = N_CLASSES
    idx = jnp.arange(n)
    # C[i, j] = |j - i| / n  (linear cost)
    C = jnp.abs(idx[None, :] - idx[:, None]).astype(jnp.float32) / n
    # gather rows of C by target class
    costs = jnp.take(C, target_class, axis=0)
    transport_costs = jnp.sum(costs * output_probs, axis=1)
    result = jnp.mean(transport_costs)
    return result

if __name__ == "__main__":
    import jax
    _d = setup_inputs()
    print(jax.jit(kernel)(*tuple(_d.values())))

</pallas_src>

<mosaic_0001>
#map = affine_map<(d0, d1) -> (0, 0)>
#map1 = affine_map<(d0, d1) -> (0)>
module attributes {stable_mosaic.version = 14 : i64} {
  func.func @_sc_body(%arg0: i32, %arg1: i32, %arg2: memref<1000x16384xf32, #tpu.memory_space<hbm>>, %arg3: memref<16384xf32, #tpu.memory_space<hbm>>, %arg4: memref<32x16xf32, #tpu.memory_space<hbm>>, %arg5: memref<512xf32, #tpu.memory_space<vmem>>, %arg6: memref<8x512xf32, #tpu.memory_space<vmem>>, %arg7: memref<8x512xf32, #tpu.memory_space<vmem>>, %arg8: memref<16xf32, #tpu.memory_space<vmem>>, %arg9: memref<!tpu.dma_semaphore, #tpu.memory_space<semaphore_mem>>, %arg10: memref<!tpu.dma_semaphore, #tpu.memory_space<semaphore_mem>>) attributes {dimension_semantics = [#tpu.dimension_semantics<core_parallel>, #tpu.dimension_semantics<subcore_parallel>], iteration_bounds = array<i64: 2, 16>, scalar_prefetch = 0 : i64, scratch_operands = 6 : i64, tpu.core_type = #tpu.core_type<sc_vector_subcore>, window_params = [{transform_indices = #map}, {transform_indices = #map1}, {transform_indices = #map}]} {
    %mul3A = arith.constant 2 : i32
    %mul3A_0 = arith.muli %arg1, %mul3A : i32
    %add3A = arith.addi %mul3A_0, %arg0 : i32
    %mul3A_1 = arith.constant 512 : i32
    %mul3A_2 = arith.muli %add3A, %mul3A_1 : i32
    "tpu.region"() ({
      %run_scoped3A = tpu.sem_alloc : memref<!tpu.dma_semaphore, #tpu.memory_space<semaphore_mem>>
      %dma_start3A_32 = tpu.memref_slice %arg3[%mul3A_2] : memref<16384xf32, #tpu.memory_space<hbm>> -> memref<512xf32, #tpu.memory_space<hbm>>
      %dma_start3A_33 = tpu.memref_slice %arg3[%mul3A_2] : memref<16384xf32, #tpu.memory_space<hbm>> -> memref<512xf32, #tpu.memory_space<hbm>>
      tpu.enqueue_dma source(%dma_start3A_33 : memref<512xf32, #tpu.memory_space<hbm>>) target(%arg5 : memref<512xf32, #tpu.memory_space<vmem>>) target_semaphore(%run_scoped3A : memref<!tpu.dma_semaphore, #tpu.memory_space<semaphore_mem>>)
      %dma_wait3A_34 = tpu.memref_slice %arg3[%mul3A_2] : memref<16384xf32, #tpu.memory_space<hbm>> -> memref<512xf32, #tpu.memory_space<hbm>>
      %dma_wait3A_35 = tpu.memref_slice %arg3[%mul3A_2] : memref<16384xf32, #tpu.memory_space<hbm>> -> memref<512xf32, #tpu.memory_space<hbm>>
      tpu.wait_dma2 semaphore(%run_scoped3A : memref<!tpu.dma_semaphore, #tpu.memory_space<semaphore_mem>>) src(%dma_wait3A_35 : memref<512xf32, #tpu.memory_space<hbm>>) dst(%arg5 : memref<512xf32, #tpu.memory_space<vmem>>)
      tpu.yield
    }) : () -> ()
    %dma_start3A = arith.constant 896 : i32
    %dma_start3A_3 = tpu.memref_slice %arg2[%dma_start3A, %mul3A_2] : memref<1000x16384xf32, #tpu.memory_space<hbm>> -> memref<8x512xf32, #tpu.memory_space<hbm>>
    %dma_start3A_4 = arith.constant 896 : i32
    %dma_start3A_5 = tpu.memref_slice %arg2[%dma_start3A_4, %mul3A_2] : memref<1000x16384xf32, #tpu.memory_space<hbm>> -> memref<8x512xf32, #tpu.memory_space<hbm>>
    tpu.enqueue_dma source(%dma_start3A_5 : memref<8x512xf32, #tpu.memory_space<hbm>>) target(%arg6 : memref<8x512xf32, #tpu.memory_space<vmem>>) target_semaphore(%arg9 : memref<!tpu.dma_semaphore, #tpu.memory_space<semaphore_mem>>)
    %dma_start3A_6 = arith.constant 904 : i32
    %dma_start3A_7 = tpu.memref_slice %arg2[%dma_start3A_6, %mul3A_2] : memref<1000x16384xf32, #tpu.memory_space<hbm>> -> memref<8x512xf32, #tpu.memory_space<hbm>>
    %dma_start3A_8 = arith.constant 904 : i32
    %dma_start3A_9 = tpu.memref_slice %arg2[%dma_start3A_8, %mul3A_2] : memref<1000x16384xf32, #tpu.memory_space<hbm>> -> memref<8x512xf32, #tpu.memory_space<hbm>>
    tpu.enqueue_dma source(%dma_start3A_9 : memref<8x512xf32, #tpu.memory_space<hbm>>) target(%arg7 : memref<8x512xf32, #tpu.memory_space<vmem>>) target_semaphore(%arg10 : memref<!tpu.dma_semaphore, #tpu.memory_space<semaphore_mem>>)
    %broadcast_in_dim3A = arith.constant 0.000000e+00 : f32
    %broadcast_in_dim3A_10 = vector.broadcast %broadcast_in_dim3A : f32 to vector<16xf32>
    %scan3A = arith.constant 0 : i32
    %scan3A_11 = arith.constant 6 : i32
    %scan3A_12 = arith.addi %scan3A, %scan3A_11 : i32
    %scan3A_13 = arith.constant 1 : i32
    %scan3A_14 = scf.for %scan3A_32 = %scan3A to %scan3A_12 step %scan3A_13 iter_args(%scan3A_33 = %broadcast_in_dim3A_10) -> (vector<16xf32>)  : i32 {
      %mul3A_34 = arith.constant 2 : i32
      %mul3A_35 = arith.muli %mul3A_34, %scan3A_32 : i32
      %mul3A_36 = arith.constant 8 : i32
      %mul3A_37 = arith.muli %mul3A_35, %mul3A_36 : i32
      %add3A_38 = arith.constant 896 : i32
      %add3A_39 = arith.addi %add3A_38, %mul3A_37 : i32
      %dma_wait3A_40 = tpu.memref_slice %arg2[%add3A_39, %mul3A_2] : memref<1000x16384xf32, #tpu.memory_space<hbm>> -> memref<8x512xf32, #tpu.memory_space<hbm>>
      %dma_wait3A_41 = tpu.memref_slice %arg2[%add3A_39, %mul3A_2] : memref<1000x16384xf32, #tpu.memory_space<hbm>> -> memref<8x512xf32, #tpu.memory_space<hbm>>
      tpu.wait_dma2 semaphore(%arg9 : memref<!tpu.dma_semaphore, #tpu.memory_space<semaphore_mem>>) src(%dma_wait3A_41 : memref<8x512xf32, #tpu.memory_space<hbm>>) dst(%arg6 : memref<8x512xf32, #tpu.memory_space<vmem>>)
      %convert_element_type3A = arith.sitofp %add3A_39 : i32 to f32
      %scan3A_42 = arith.constant 0 : i32
      %scan3A_43 = arith.constant 32 : i32
      %scan3A_44 = arith.addi %scan3A_42, %scan3A_43 : i32
      %scan3A_45 = arith.constant 1 : i32
      %scan3A_46 = scf.for %scan3A_75 = %scan3A_42 to %scan3A_44 step %scan3A_45 iter_args(%scan3A_76 = %scan3A_33) -> (vector<16xf32>)  : i32 {
        %mul3A_77 = arith.constant 16 : i32
        %mul3A_78 = arith.muli %scan3A_75, %mul3A_77 : i32
        %get3A = arith.index_cast %mul3A_78 : i32 to index
        %get3A_79 = tpu.vector_load %arg5[%get3A] {strides = array<i32>} : memref<512xf32, #tpu.memory_space<vmem>>, vector<16xf32>,
        %get3A_80 = vector.shape_cast %get3A_79 : vector<16xf32> to vector<16xf32>
        %broadcast_in_dim3A_81 = vector.broadcast %convert_element_type3A : f32 to vector<16xf32>
        %broadcast_in_dim3A_82 = arith.constant 0.000000e+00 : f32
        %broadcast_in_dim3A_83 = vector.broadcast %broadcast_in_dim3A_82 : f32 to vector<16xf32>
        %mul3A_84 = arith.constant 16 : i32
        %mul3A_85 = arith.muli %scan3A_75, %mul3A_84 : i32
        %get3A_86 = arith.constant 0 : i32
        %get3A_87 = arith.index_cast %get3A_86 : i32 to index
        %get3A_88 = arith.index_cast %mul3A_85 : i32 to index
        %get3A_89 = tpu.vector_load %arg6[%get3A_87, %get3A_88] {strides = array<i32>} : memref<8x512xf32, #tpu.memory_space<vmem>>, vector<1x16xf32>,
        %get3A_90 = vector.shape_cast %get3A_89 : vector<1x16xf32> to vector<16xf32>
        %sub3A = arith.subf %broadcast_in_dim3A_81, %get3A_80 : vector<16xf32>
        %abs3A = math.absf %sub3A : vector<16xf32>
        %mul3A_91 = arith.mulf %abs3A, %get3A_90 : vector<16xf32>
        %add3A_92 = arith.addf %scan3A_76, %mul3A_91 : vector<16xf32>
        %add3A_93 = arith.constant 1.000000e+00 : f32
        %add3A_94 = vector.broadcast %add3A_93 : f32 to vector<16xf32>
        %add3A_95 = arith.addf %broadcast_in_dim3A_81, %add3A_94 : vector<16xf32>
        %mul3A_96 = arith.constant 16 : i32
        %mul3A_97 = arith.muli %scan3A_75, %mul3A_96 : i32
        %get3A_98 = arith.constant 1 : i32
        %get3A_99 = arith.index_cast %get3A_98 : i32 to index
        %get3A_100 = arith.index_cast %mul3A_97 : i32 to index
        %get3A_101 = tpu.vector_load %arg6[%get3A_99, %get3A_100] {strides = array<i32>} : memref<8x512xf32, #tpu.memory_space<vmem>>, vector<1x16xf32>,
        %get3A_102 = vector.shape_cast %get3A_101 : vector<1x16xf32> to vector<16xf32>
        %sub3A_103 = arith.subf %add3A_95, %get3A_80 : vector<16xf32>
        %abs3A_104 = math.absf %sub3A_103 : vector<16xf32>
        %mul3A_105 = arith.mulf %abs3A_104, %get3A_102 : vector<16xf32>
        %add3A_106 = arith.addf %broadcast_in_dim3A_83, %mul3A_105 : vector<16xf32>
        %add3A_107 = arith.constant 1.000000e+00 : f32
        %add3A_108 = vector.broadcast %add3A_107 : f32 to vector<16xf32>
        %add3A_109 = arith.addf %add3A_95, %add3A_108 : vector<16xf32>
        %mul3A_110 = arith.constant 16 : i32
        %mul3A_111 = arith.muli %scan3A_75, %mul3A_110 : i32
        %get3A_112 = arith.constant 2 : i32
        %get3A_113 = arith.index_cast %get3A_112 : i32 to index
        %get3A_114 = arith.index_cast %mul3A_111 : i32 to index
        %get3A_115 = tpu.vector_load %arg6[%get3A_113, %get3A_114] {strides = array<i32>} : memref<8x512xf32, #tpu.memory_space<vmem>>, vector<1x16xf32>,
        %get3A_116 = vector.shape_cast %get3A_115 : vector<1x16xf32> to vector<16xf32>
        %sub3A_117 = arith.subf %add3A_109, %get3A_80 : vector<16xf32>
        %abs3A_118 = math.absf %sub3A_117 : vector<16xf32>
        %mul3A_119 = arith.mulf %abs3A_118, %get3A_116 : vector<16xf32>
        %add3A_120 = arith.addf %add3A_92, %mul3A_119 : vector<16xf32>
        %add3A_121 = arith.constant 1.000000e+00 : f32
        %add3A_122 = vector.broadcast %add3A_121 : f32 to vector<16xf32>
        %add3A_123 = arith.addf %add3A_109, %add3A_122 : vector<16xf32>
        %mul3A_124 = arith.constant 16 : i32
        %mul3A_125 = arith.muli %scan3A_75, %mul3A_124 : i32
        %get3A_126 = arith.constant 3 : i32
        %get3A_127 = arith.index_cast %get3A_126 : i32 to index
        %get3A_128 = arith.index_cast %mul3A_125 : i32 to index
        %get3A_129 = tpu.vector_load %arg6[%get3A_127, %get3A_128] {strides = array<i32>} : memref<8x512xf32, #tpu.memory_space<vmem>>, vector<1x16xf32>,
        %get3A_130 = vector.shape_cast %get3A_129 : vector<1x16xf32> to vector<16xf32>
        %sub3A_131 = arith.subf %add3A_123, %get3A_80 : vector<16xf32>
        %abs3A_132 = math.absf %sub3A_131 : vector<16xf32>
        %mul3A_133 = arith.mulf %abs3A_132, %get3A_130 : vector<16xf32>
        %add3A_134 = arith.addf %add3A_106, %mul3A_133 : vector<16xf32>
        %add3A_135 = arith.constant 1.000000e+00 : f32
        %add3A_136 = vector.broadcast %add3A_135 : f32 to vector<16xf32>
        %add3A_137 = arith.addf %add3A_123, %add3A_136 : vector<16xf32>
        %mul3A_138 = arith.constant 16 : i32
        %mul3A_139 = arith.muli %scan3A_75, %mul3A_138 : i32
        %get3A_140 = arith.constant 4 : i32
        %get3A_141 = arith.index_cast %get3A_140 : i32 to index
        %get3A_142 = arith.index_cast %mul3A_139 : i32 to index
        %get3A_143 = tpu.vector_load %arg6[%get3A_141, %get3A_142] {strides = array<i32>} : memref<8x512xf32, #tpu.memory_space<vmem>>, vector<1x16xf32>,
        %get3A_144 = vector.shape_cast %get3A_143 : vector<1x16xf32> to vector<16xf32>
        %sub3A_145 = arith.subf %add3A_137, %get3A_80 : vector<16xf32>
        %abs3A_146 = math.absf %sub3A_145 : vector<16xf32>
        %mul3A_147 = arith.mulf %abs3A_146, %get3A_144 : vector<16xf32>
        %add3A_148 = arith.addf %add3A_120, %mul3A_147 : vector<16xf32>
        %add3A_149 = arith.constant 1.000000e+00 : f32
        %add3A_150 = vector.broadcast %add3A_149 : f32 to vector<16xf32>
        %add3A_151 = arith.addf %add3A_137, %add3A_150 : vector<16xf32>
        %mul3A_152 = arith.constant 16 : i32
        %mul3A_153 = arith.muli %scan3A_75, %mul3A_152 : i32
        %get3A_154 = arith.constant 5 : i32
        %get3A_155 = arith.index_cast %get3A_154 : i32 to index
        %get3A_156 = arith.index_cast %mul3A_153 : i32 to index
        %get3A_157 = tpu.vector_load %arg6[%get3A_155, %get3A_156] {strides = array<i32>} : memref<8x512xf32, #tpu.memory_space<vmem>>, vector<1x16xf32>,
        %get3A_158 = vector.shape_cast %get3A_157 : vector<1x16xf32> to vector<16xf32>
        %sub3A_159 = arith.subf %add3A_151, %get3A_80 : vector<16xf32>
        %abs3A_160 = math.absf %sub3A_159 : vector<16xf32>
        %mul3A_161 = arith.mulf %abs3A_160, %get3A_158 : vector<16xf32>
        %add3A_162 = arith.addf %add3A_134, %mul3A_161 : vector<16xf32>
        %add3A_163 = arith.constant 1.000000e+00 : f32
        %add3A_164 = vector.broadcast %add3A_163 : f32 to vector<16xf32>
        %add3A_165 = arith.addf %add3A_151, %add3A_164 : vector<16xf32>
        %mul3A_166 = arith.constant 16 : i32
        %mul3A_167 = arith.muli %scan3A_75, %mul3A_166 : i32
        %get3A_168 = arith.constant 6 : i32
        %get3A_169 = arith.index_cast %get3A_168 : i32 to index
        %get3A_170 = arith.index_cast %mul3A_167 : i32 to index
        %get3A_171 = tpu.vector_load %arg6[%get3A_169, %get3A_170] {strides = array<i32>} : memref<8x512xf32, #tpu.memory_space<vmem>>, vector<1x16xf32>,
        %get3A_172 = vector.shape_cast %get3A_171 : vector<1x16xf32> to vector<16xf32>
        %sub3A_173 = arith.subf %add3A_165, %get3A_80 : vector<16xf32>
        %abs3A_174 = math.absf %sub3A_173 : vector<16xf32>
        %mul3A_175 = arith.mulf %abs3A_174, %get3A_172 : vector<16xf32>
        %add3A_176 = arith.addf %add3A_148, %mul3A_175 : vector<16xf32>
        %add3A_177 = arith.constant 1.000000e+00 : f32
        %add3A_178 = vector.broadcast %add3A_177 : f32 to vector<16xf32>
        %add3A_179 = arith.addf %add3A_165, %add3A_178 : vector<16xf32>
        %mul3A_180 = arith.constant 16 : i32
        %mul3A_181 = arith.muli %scan3A_75, %mul3A_180 : i32
        %get3A_182 = arith.constant 7 : i32
        %get3A_183 = arith.index_cast %get3A_182 : i32 to index
        %get3A_184 = arith.index_cast %mul3A_181 : i32 to index
        %get3A_185 = tpu.vector_load %arg6[%get3A_183, %get3A_184] {strides = array<i32>} : memref<8x512xf32, #tpu.memory_space<vmem>>, vector<1x16xf32>,
        %get3A_186 = vector.shape_cast %get3A_185 : vector<1x16xf32> to vector<16xf32>
        %sub3A_187 = arith.subf %add3A_179, %get3A_80 : vector<16xf32>
        %abs3A_188 = math.absf %sub3A_187 : vector<16xf32>
        %mul3A_189 = arith.mulf %abs3A_188, %get3A_186 : vector<16xf32>
        %add3A_190 = arith.addf %add3A_162, %mul3A_189 : vector<16xf32>
        %add3A_191 = arith.constant 1.000000e+00 : f32
        %add3A_192 = vector.broadcast %add3A_191 : f32 to vector<16xf32>
        %add3A_193 = arith.addf %add3A_179, %add3A_192 : vector<16xf32>
        %add3A_194 = arith.addf %add3A_176, %add3A_190 : vector<16xf32>
        scf.yield %add3A_194 : vector<16xf32>
      }
      %scan3A_47 = arith.constant 32 : i32
      %add3A_48 = arith.constant 2 : i32
      %add3A_49 = arith.addi %mul3A_35, %add3A_48 : i32
      %lt3A = arith.constant 13 : i32
      %lt3A_50 = arith.cmpi slt, %add3A_49, %lt3A : i32
      %convert_element_type3A_51 = arith.extui %lt3A_50 : i1 to i32
      %cond3A = arith.constant 0 : i32
      %cond3A_52 = arith.cmpi ne, %convert_element_type3A_51, %cond3A : i32
      scf.if %cond3A_52 {
        %add3A_75 = arith.constant 2 : i32
        %add3A_76 = arith.addi %mul3A_35, %add3A_75 : i32
        %mul3A_77 = arith.constant 8 : i32
        %mul3A_78 = arith.muli %add3A_76, %mul3A_77 : i32
        %add3A_79 = arith.constant 896 : i32
        %add3A_80 = arith.addi %add3A_79, %mul3A_78 : i32
        %dma_start3A_81 = tpu.memref_slice %arg2[%add3A_80, %mul3A_2] : memref<1000x16384xf32, #tpu.memory_space<hbm>> -> memref<8x512xf32, #tpu.memory_space<hbm>>
        %dma_start3A_82 = tpu.memref_slice %arg2[%add3A_80, %mul3A_2] : memref<1000x16384xf32, #tpu.memory_space<hbm>> -> memref<8x512xf32, #tpu.memory_space<hbm>>
        tpu.enqueue_dma source(%dma_start3A_82 : memref<8x512xf32, #tpu.memory_space<hbm>>) target(%arg6 : memref<8x512xf32, #tpu.memory_space<vmem>>) target_semaphore(%arg9 : memref<!tpu.dma_semaphore, #tpu.memory_space<semaphore_mem>>)
      } else {
      }
      %add3A_53 = arith.constant 1 : i32
      %add3A_54 = arith.addi %mul3A_35, %add3A_53 : i32
      %mul3A_55 = arith.constant 8 : i32
      %mul3A_56 = arith.muli %add3A_54, %mul3A_55 : i32
      %add3A_57 = arith.constant 896 : i32
      %add3A_58 = arith.addi %add3A_57, %mul3A_56 : i32
      %dma_wait3A_59 = tpu.memref_slice %arg2[%add3A_58, %mul3A_2] : memref<1000x16384xf32, #tpu.memory_space<hbm>> -> memref<8x512xf32, #tpu.memory_space<hbm>>
      %dma_wait3A_60 = tpu.memref_slice %arg2[%add3A_58, %mul3A_2] : memref<1000x16384xf32, #tpu.memory_space<hbm>> -> memref<8x512xf32, #tpu.memory_space<hbm>>
      tpu.wait_dma2 semaphore(%arg10 : memref<!tpu.dma_semaphore, #tpu.memory_space<semaphore_mem>>) src(%dma_wait3A_60 : memref<8x512xf32, #tpu.memory_space<hbm>>) dst(%arg7 : memref<8x512xf32, #tpu.memory_space<vmem>>)
      %convert_element_type3A_61 = arith.sitofp %add3A_58 : i32 to f32
      %scan3A_62 = arith.constant 0 : i32
      %scan3A_63 = arith.constant 32 : i32
      %scan3A_64 = arith.addi %scan3A_62, %scan3A_63 : i32
      %scan3A_65 = arith.constant 1 : i32
      %scan3A_66 = scf.for %scan3A_75 = %scan3A_62 to %scan3A_64 step %scan3A_65 iter_args(%scan3A_76 = %scan3A_46) -> (vector<16xf32>)  : i32 {
        %mul3A_77 = arith.constant 16 : i32
        %mul3A_78 = arith.muli %scan3A_75, %mul3A_77 : i32
        %get3A = arith.index_cast %mul3A_78 : i32 to index
        %get3A_79 = tpu.vector_load %arg5[%get3A] {strides = array<i32>} : memref<512xf32, #tpu.memory_space<vmem>>, vector<16xf32>,
        %get3A_80 = vector.shape_cast %get3A_79 : vector<16xf32> to vector<16xf32>
        %broadcast_in_dim3A_81 = vector.broadcast %convert_element_type3A_61 : f32 to vector<16xf32>
        %broadcast_in_dim3A_82 = arith.constant 0.000000e+00 : f32
        %broadcast_in_dim3A_83 = vector.broadcast %broadcast_in_dim3A_82 : f32 to vector<16xf32>
        %mul3A_84 = arith.constant 16 : i32
        %mul3A_85 = arith.muli %scan3A_75, %mul3A_84 : i32
        %get3A_86 = arith.constant 0 : i32
        %get3A_87 = arith.index_cast %get3A_86 : i32 to index
        %get3A_88 = arith.index_cast %mul3A_85 : i32 to index
        %get3A_89 = tpu.vector_load %arg7[%get3A_87, %get3A_88] {strides = array<i32>} : memref<8x512xf32, #tpu.memory_space<vmem>>, vector<1x16xf32>,
        %get3A_90 = vector.shape_cast %get3A_89 : vector<1x16xf32> to vector<16xf32>
        %sub3A = arith.subf %broadcast_in_dim3A_81, %get3A_80 : vector<16xf32>
        %abs3A = math.absf %sub3A : vector<16xf32>
        %mul3A_91 = arith.mulf %abs3A, %get3A_90 : vector<16xf32>
        %add3A_92 = arith.addf %scan3A_76, %mul3A_91 : vector<16xf32>
        %add3A_93 = arith.constant 1.000000e+00 : f32
        %add3A_94 = vector.broadcast %add3A_93 : f32 to vector<16xf32>
        %add3A_95 = arith.addf %broadcast_in_dim3A_81, %add3A_94 : vector<16xf32>
        %mul3A_96 = arith.constant 16 : i32
        %mul3A_97 = arith.muli %scan3A_75, %mul3A_96 : i32
        %get3A_98 = arith.constant 1 : i32
        %get3A_99 = arith.index_cast %get3A_98 : i32 to index
        %get3A_100 = arith.index_cast %mul3A_97 : i32 to index
        %get3A_101 = tpu.vector_load %arg7[%get3A_99, %get3A_100] {strides = array<i32>} : memref<8x512xf32, #tpu.memory_space<vmem>>, vector<1x16xf32>,
        %get3A_102 = vector.shape_cast %get3A_101 : vector<1x16xf32> to vector<16xf32>
        %sub3A_103 = arith.subf %add3A_95, %get3A_80 : vector<16xf32>
        %abs3A_104 = math.absf %sub3A_103 : vector<16xf32>
        %mul3A_105 = arith.mulf %abs3A_104, %get3A_102 : vector<16xf32>
        %add3A_106 = arith.addf %broadcast_in_dim3A_83, %mul3A_105 : vector<16xf32>
        %add3A_107 = arith.constant 1.000000e+00 : f32
        %add3A_108 = vector.broadcast %add3A_107 : f32 to vector<16xf32>
        %add3A_109 = arith.addf %add3A_95, %add3A_108 : vector<16xf32>
        %mul3A_110 = arith.constant 16 : i32
        %mul3A_111 = arith.muli %scan3A_75, %mul3A_110 : i32
        %get3A_112 = arith.constant 2 : i32
        %get3A_113 = arith.index_cast %get3A_112 : i32 to index
        %get3A_114 = arith.index_cast %mul3A_111 : i32 to index
        %get3A_115 = tpu.vector_load %arg7[%get3A_113, %get3A_114] {strides = array<i32>} : memref<8x512xf32, #tpu.memory_space<vmem>>, vector<1x16xf32>,
        %get3A_116 = vector.shape_cast %get3A_115 : vector<1x16xf32> to vector<16xf32>
        %sub3A_117 = arith.subf %add3A_109, %get3A_80 : vector<16xf32>
        %abs3A_118 = math.absf %sub3A_117 : vector<16xf32>
        %mul3A_119 = arith.mulf %abs3A_118, %get3A_116 : vector<16xf32>
        %add3A_120 = arith.addf %add3A_92, %mul3A_119 : vector<16xf32>
        %add3A_121 = arith.constant 1.000000e+00 : f32
        %add3A_122 = vector.broadcast %add3A_121 : f32 to vector<16xf32>
        %add3A_123 = arith.addf %add3A_109, %add3A_122 : vector<16xf32>
        %mul3A_124 = arith.constant 16 : i32
        %mul3A_125 = arith.muli %scan3A_75, %mul3A_124 : i32
        %get3A_126 = arith.constant 3 : i32
        %get3A_127 = arith.index_cast %get3A_126 : i32 to index
        %get3A_128 = arith.index_cast %mul3A_125 : i32 to index
        %get3A_129 = tpu.vector_load %arg7[%get3A_127, %get3A_128] {strides = array<i32>} : memref<8x512xf32, #tpu.memory_space<vmem>>, vector<1x16xf32>,
        %get3A_130 = vector.shape_cast %get3A_129 : vector<1x16xf32> to vector<16xf32>
        %sub3A_131 = arith.subf %add3A_123, %get3A_80 : vector<16xf32>
        %abs3A_132 = math.absf %sub3A_131 : vector<16xf32>
        %mul3A_133 = arith.mulf %abs3A_132, %get3A_130 : vector<16xf32>
        %add3A_134 = arith.addf %add3A_106, %mul3A_133 : vector<16xf32>
        %add3A_135 = arith.constant 1.000000e+00 : f32
        %add3A_136 = vector.broadcast %add3A_135 : f32 to vector<16xf32>
        %add3A_137 = arith.addf %add3A_123, %add3A_136 : vector<16xf32>
        %mul3A_138 = arith.constant 16 : i32
        %mul3A_139 = arith.muli %scan3A_75, %mul3A_138 : i32
        %get3A_140 = arith.constant 4 : i32
        %get3A_141 = arith.index_cast %get3A_140 : i32 to index
        %get3A_142 = arith.index_cast %mul3A_139 : i32 to index
        %get3A_143 = tpu.vector_load %arg7[%get3A_141, %get3A_142] {strides = array<i32>} : memref<8x512xf32, #tpu.memory_space<vmem>>, vector<1x16xf32>,
        %get3A_144 = vector.shape_cast %get3A_143 : vector<1x16xf32> to vector<16xf32>
        %sub3A_145 = arith.subf %add3A_137, %get3A_80 : vector<16xf32>
        %abs3A_146 = math.absf %sub3A_145 : vector<16xf32>
        %mul3A_147 = arith.mulf %abs3A_146, %get3A_144 : vector<16xf32>
        %add3A_148 = arith.addf %add3A_120, %mul3A_147 : vector<16xf32>
        %add3A_149 = arith.constant 1.000000e+00 : f32
        %add3A_150 = vector.broadcast %add3A_149 : f32 to vector<16xf32>
        %add3A_151 = arith.addf %add3A_137, %add3A_150 : vector<16xf32>
        %mul3A_152 = arith.constant 16 : i32
        %mul3A_153 = arith.muli %scan3A_75, %mul3A_152 : i32
        %get3A_154 = arith.constant 5 : i32
        %get3A_155 = arith.index_cast %get3A_154 : i32 to index
        %get3A_156 = arith.index_cast %mul3A_153 : i32 to index
        %get3A_157 = tpu.vector_load %arg7[%get3A_155, %get3A_156] {strides = array<i32>} : memref<8x512xf32, #tpu.memory_space<vmem>>, vector<1x16xf32>,
        %get3A_158 = vector.shape_cast %get3A_157 : vector<1x16xf32> to vector<16xf32>
        %sub3A_159 = arith.subf %add3A_151, %get3A_80 : vector<16xf32>
        %abs3A_160 = math.absf %sub3A_159 : vector<16xf32>
        %mul3A_161 = arith.mulf %abs3A_160, %get3A_158 : vector<16xf32>
        %add3A_162 = arith.addf %add3A_134, %mul3A_161 : vector<16xf32>
        %add3A_163 = arith.constant 1.000000e+00 : f32
        %add3A_164 = vector.broadcast %add3A_163 : f32 to vector<16xf32>
        %add3A_165 = arith.addf %add3A_151, %add3A_164 : vector<16xf32>
        %mul3A_166 = arith.constant 16 : i32
        %mul3A_167 = arith.muli %scan3A_75, %mul3A_166 : i32
        %get3A_168 = arith.constant 6 : i32
        %get3A_169 = arith.index_cast %get3A_168 : i32 to index
        %get3A_170 = arith.index_cast %mul3A_167 : i32 to index
        %get3A_171 = tpu.vector_load %arg7[%get3A_169, %get3A_170] {strides = array<i32>} : memref<8x512xf32, #tpu.memory_space<vmem>>, vector<1x16xf32>,
        %get3A_172 = vector.shape_cast %get3A_171 : vector<1x16xf32> to vector<16xf32>
        %sub3A_173 = arith.subf %add3A_165, %get3A_80 : vector<16xf32>
        %abs3A_174 = math.absf %sub3A_173 : vector<16xf32>
        %mul3A_175 = arith.mulf %abs3A_174, %get3A_172 : vector<16xf32>
        %add3A_176 = arith.addf %add3A_148, %mul3A_175 : vector<16xf32>
        %add3A_177 = arith.constant 1.000000e+00 : f32
        %add3A_178 = vector.broadcast %add3A_177 : f32 to vector<16xf32>
        %add3A_179 = arith.addf %add3A_165, %add3A_178 : vector<16xf32>
        %mul3A_180 = arith.constant 16 : i32
        %mul3A_181 = arith.muli %scan3A_75, %mul3A_180 : i32
        %get3A_182 = arith.constant 7 : i32
        %get3A_183 = arith.index_cast %get3A_182 : i32 to index
        %get3A_184 = arith.index_cast %mul3A_181 : i32 to index
        %get3A_185 = tpu.vector_load %arg7[%get3A_183, %get3A_184] {strides = array<i32>} : memref<8x512xf32, #tpu.memory_space<vmem>>, vector<1x16xf32>,
        %get3A_186 = vector.shape_cast %get3A_185 : vector<1x16xf32> to vector<16xf32>
        %sub3A_187 = arith.subf %add3A_179, %get3A_80 : vector<16xf32>
        %abs3A_188 = math.absf %sub3A_187 : vector<16xf32>
        %mul3A_189 = arith.mulf %abs3A_188, %get3A_186 : vector<16xf32>
        %add3A_190 = arith.addf %add3A_162, %mul3A_189 : vector<16xf32>
        %add3A_191 = arith.constant 1.000000e+00 : f32
        %add3A_192 = vector.broadcast %add3A_191 : f32 to vector<16xf32>
        %add3A_193 = arith.addf %add3A_179, %add3A_192 : vector<16xf32>
        %add3A_194 = arith.addf %add3A_176, %add3A_190 : vector<16xf32>
        scf.yield %add3A_194 : vector<16xf32>
      }
      %scan3A_67 = arith.constant 32 : i32
      %add3A_68 = arith.constant 3 : i32
      %add3A_69 = arith.addi %mul3A_35, %add3A_68 : i32
      %lt3A_70 = arith.constant 13 : i32
      %lt3A_71 = arith.cmpi slt, %add3A_69, %lt3A_70 : i32
      %convert_element_type3A_72 = arith.extui %lt3A_71 : i1 to i32
      %cond3A_73 = arith.constant 0 : i32
      %cond3A_74 = arith.cmpi ne, %convert_element_type3A_72, %cond3A_73 : i32
      scf.if %cond3A_74 {
        %add3A_75 = arith.constant 3 : i32
        %add3A_76 = arith.addi %mul3A_35, %add3A_75 : i32
        %mul3A_77 = arith.constant 8 : i32
        %mul3A_78 = arith.muli %add3A_76, %mul3A_77 : i32
        %add3A_79 = arith.constant 896 : i32
        %add3A_80 = arith.addi %add3A_79, %mul3A_78 : i32
        %dma_start3A_81 = tpu.memref_slice %arg2[%add3A_80, %mul3A_2] : memref<1000x16384xf32, #tpu.memory_space<hbm>> -> memref<8x512xf32, #tpu.memory_space<hbm>>
        %dma_start3A_82 = tpu.memref_slice %arg2[%add3A_80, %mul3A_2] : memref<1000x16384xf32, #tpu.memory_space<hbm>> -> memref<8x512xf32, #tpu.memory_space<hbm>>
        tpu.enqueue_dma source(%dma_start3A_82 : memref<8x512xf32, #tpu.memory_space<hbm>>) target(%arg7 : memref<8x512xf32, #tpu.memory_space<vmem>>) target_semaphore(%arg10 : memref<!tpu.dma_semaphore, #tpu.memory_space<semaphore_mem>>)
      } else {
      }
      scf.yield %scan3A_66 : vector<16xf32>
    }
    %scan3A_15 = arith.constant 6 : i32
    %dma_wait3A = arith.constant 992 : i32
    %dma_wait3A_16 = tpu.memref_slice %arg2[%dma_wait3A, %mul3A_2] : memref<1000x16384xf32, #tpu.memory_space<hbm>> -> memref<8x512xf32, #tpu.memory_space<hbm>>
    %dma_wait3A_17 = arith.constant 992 : i32
    %dma_wait3A_18 = tpu.memref_slice %arg2[%dma_wait3A_17, %mul3A_2] : memref<1000x16384xf32, #tpu.memory_space<hbm>> -> memref<8x512xf32, #tpu.memory_space<hbm>>
    tpu.wait_dma2 semaphore(%arg9 : memref<!tpu.dma_semaphore, #tpu.memory_space<semaphore_mem>>) src(%dma_wait3A_18 : memref<8x512xf32, #tpu.memory_space<hbm>>) dst(%arg6 : memref<8x512xf32, #tpu.memory_space<vmem>>)
    %scan3A_19 = arith.constant 9.920000e+02 : f32
    %scan3A_20 = arith.constant 0 : i32
    %scan3A_21 = arith.constant 32 : i32
    %scan3A_22 = arith.addi %scan3A_20, %scan3A_21 : i32
    %scan3A_23 = arith.constant 1 : i32
    %scan3A_24 = scf.for %scan3A_32 = %scan3A_20 to %scan3A_22 step %scan3A_23 iter_args(%scan3A_33 = %scan3A_14) -> (vector<16xf32>)  : i32 {
      %mul3A_34 = arith.constant 16 : i32
      %mul3A_35 = arith.muli %scan3A_32, %mul3A_34 : i32
      %get3A = arith.index_cast %mul3A_35 : i32 to index
      %get3A_36 = tpu.vector_load %arg5[%get3A] {strides = array<i32>} : memref<512xf32, #tpu.memory_space<vmem>>, vector<16xf32>,
      %get3A_37 = vector.shape_cast %get3A_36 : vector<16xf32> to vector<16xf32>
      %broadcast_in_dim3A_38 = vector.broadcast %scan3A_19 : f32 to vector<16xf32>
      %broadcast_in_dim3A_39 = arith.constant 0.000000e+00 : f32
      %broadcast_in_dim3A_40 = vector.broadcast %broadcast_in_dim3A_39 : f32 to vector<16xf32>
      %mul3A_41 = arith.constant 16 : i32
      %mul3A_42 = arith.muli %scan3A_32, %mul3A_41 : i32
      %get3A_43 = arith.constant 0 : i32
      %get3A_44 = arith.index_cast %get3A_43 : i32 to index
      %get3A_45 = arith.index_cast %mul3A_42 : i32 to index
      %get3A_46 = tpu.vector_load %arg6[%get3A_44, %get3A_45] {strides = array<i32>} : memref<8x512xf32, #tpu.memory_space<vmem>>, vector<1x16xf32>,
      %get3A_47 = vector.shape_cast %get3A_46 : vector<1x16xf32> to vector<16xf32>
      %sub3A = arith.subf %broadcast_in_dim3A_38, %get3A_37 : vector<16xf32>
      %abs3A = math.absf %sub3A : vector<16xf32>
      %mul3A_48 = arith.mulf %abs3A, %get3A_47 : vector<16xf32>
      %add3A_49 = arith.addf %scan3A_33, %mul3A_48 : vector<16xf32>
      %add3A_50 = arith.constant 1.000000e+00 : f32
      %add3A_51 = vector.broadcast %add3A_50 : f32 to vector<16xf32>
      %add3A_52 = arith.addf %broadcast_in_dim3A_38, %add3A_51 : vector<16xf32>
      %mul3A_53 = arith.constant 16 : i32
      %mul3A_54 = arith.muli %scan3A_32, %mul3A_53 : i32
      %get3A_55 = arith.constant 1 : i32
      %get3A_56 = arith.index_cast %get3A_55 : i32 to index
      %get3A_57 = arith.index_cast %mul3A_54 : i32 to index
      %get3A_58 = tpu.vector_load %arg6[%get3A_56, %get3A_57] {strides = array<i32>} : memref<8x512xf32, #tpu.memory_space<vmem>>, vector<1x16xf32>,
      %get3A_59 = vector.shape_cast %get3A_58 : vector<1x16xf32> to vector<16xf32>
      %sub3A_60 = arith.subf %add3A_52, %get3A_37 : vector<16xf32>
      %abs3A_61 = math.absf %sub3A_60 : vector<16xf32>
      %mul3A_62 = arith.mulf %abs3A_61, %get3A_59 : vector<16xf32>
      %add3A_63 = arith.addf %broadcast_in_dim3A_40, %mul3A_62 : vector<16xf32>
      %add3A_64 = arith.constant 1.000000e+00 : f32
      %add3A_65 = vector.broadcast %add3A_64 : f32 to vector<16xf32>
      %add3A_66 = arith.addf %add3A_52, %add3A_65 : vector<16xf32>
      %mul3A_67 = arith.constant 16 : i32
      %mul3A_68 = arith.muli %scan3A_32, %mul3A_67 : i32
      %get3A_69 = arith.constant 2 : i32
      %get3A_70 = arith.index_cast %get3A_69 : i32 to index
      %get3A_71 = arith.index_cast %mul3A_68 : i32 to index
      %get3A_72 = tpu.vector_load %arg6[%get3A_70, %get3A_71] {strides = array<i32>} : memref<8x512xf32, #tpu.memory_space<vmem>>, vector<1x16xf32>,
      %get3A_73 = vector.shape_cast %get3A_72 : vector<1x16xf32> to vector<16xf32>
      %sub3A_74 = arith.subf %add3A_66, %get3A_37 : vector<16xf32>
      %abs3A_75 = math.absf %sub3A_74 : vector<16xf32>
      %mul3A_76 = arith.mulf %abs3A_75, %get3A_73 : vector<16xf32>
      %add3A_77 = arith.addf %add3A_49, %mul3A_76 : vector<16xf32>
      %add3A_78 = arith.constant 1.000000e+00 : f32
      %add3A_79 = vector.broadcast %add3A_78 : f32 to vector<16xf32>
      %add3A_80 = arith.addf %add3A_66, %add3A_79 : vector<16xf32>
      %mul3A_81 = arith.constant 16 : i32
      %mul3A_82 = arith.muli %scan3A_32, %mul3A_81 : i32
      %get3A_83 = arith.constant 3 : i32
      %get3A_84 = arith.index_cast %get3A_83 : i32 to index
      %get3A_85 = arith.index_cast %mul3A_82 : i32 to index
      %get3A_86 = tpu.vector_load %arg6[%get3A_84, %get3A_85] {strides = array<i32>} : memref<8x512xf32, #tpu.memory_space<vmem>>, vector<1x16xf32>,
      %get3A_87 = vector.shape_cast %get3A_86 : vector<1x16xf32> to vector<16xf32>
      %sub3A_88 = arith.subf %add3A_80, %get3A_37 : vector<16xf32>
      %abs3A_89 = math.absf %sub3A_88 : vector<16xf32>
      %mul3A_90 = arith.mulf %abs3A_89, %get3A_87 : vector<16xf32>
      %add3A_91 = arith.addf %add3A_63, %mul3A_90 : vector<16xf32>
      %add3A_92 = arith.constant 1.000000e+00 : f32
      %add3A_93 = vector.broadcast %add3A_92 : f32 to vector<16xf32>
      %add3A_94 = arith.addf %add3A_80, %add3A_93 : vector<16xf32>
      %mul3A_95 = arith.constant 16 : i32
      %mul3A_96 = arith.muli %scan3A_32, %mul3A_95 : i32
      %get3A_97 = arith.constant 4 : i32
      %get3A_98 = arith.index_cast %get3A_97 : i32 to index
      %get3A_99 = arith.index_cast %mul3A_96 : i32 to index
      %get3A_100 = tpu.vector_load %arg6[%get3A_98, %get3A_99] {strides = array<i32>} : memref<8x512xf32, #tpu.memory_space<vmem>>, vector<1x16xf32>,
      %get3A_101 = vector.shape_cast %get3A_100 : vector<1x16xf32> to vector<16xf32>
      %sub3A_102 = arith.subf %add3A_94, %get3A_37 : vector<16xf32>
      %abs3A_103 = math.absf %sub3A_102 : vector<16xf32>
      %mul3A_104 = arith.mulf %abs3A_103, %get3A_101 : vector<16xf32>
      %add3A_105 = arith.addf %add3A_77, %mul3A_104 : vector<16xf32>
      %add3A_106 = arith.constant 1.000000e+00 : f32
      %add3A_107 = vector.broadcast %add3A_106 : f32 to vector<16xf32>
      %add3A_108 = arith.addf %add3A_94, %add3A_107 : vector<16xf32>
      %mul3A_109 = arith.constant 16 : i32
      %mul3A_110 = arith.muli %scan3A_32, %mul3A_109 : i32
      %get3A_111 = arith.constant 5 : i32
      %get3A_112 = arith.index_cast %get3A_111 : i32 to index
      %get3A_113 = arith.index_cast %mul3A_110 : i32 to index
      %get3A_114 = tpu.vector_load %arg6[%get3A_112, %get3A_113] {strides = array<i32>} : memref<8x512xf32, #tpu.memory_space<vmem>>, vector<1x16xf32>,
      %get3A_115 = vector.shape_cast %get3A_114 : vector<1x16xf32> to vector<16xf32>
      %sub3A_116 = arith.subf %add3A_108, %get3A_37 : vector<16xf32>
      %abs3A_117 = math.absf %sub3A_116 : vector<16xf32>
      %mul3A_118 = arith.mulf %abs3A_117, %get3A_115 : vector<16xf32>
      %add3A_119 = arith.addf %add3A_91, %mul3A_118 : vector<16xf32>
      %add3A_120 = arith.constant 1.000000e+00 : f32
      %add3A_121 = vector.broadcast %add3A_120 : f32 to vector<16xf32>
      %add3A_122 = arith.addf %add3A_108, %add3A_121 : vector<16xf32>
      %mul3A_123 = arith.constant 16 : i32
      %mul3A_124 = arith.muli %scan3A_32, %mul3A_123 : i32
      %get3A_125 = arith.constant 6 : i32
      %get3A_126 = arith.index_cast %get3A_125 : i32 to index
      %get3A_127 = arith.index_cast %mul3A_124 : i32 to index
      %get3A_128 = tpu.vector_load %arg6[%get3A_126, %get3A_127] {strides = array<i32>} : memref<8x512xf32, #tpu.memory_space<vmem>>, vector<1x16xf32>,
      %get3A_129 = vector.shape_cast %get3A_128 : vector<1x16xf32> to vector<16xf32>
      %sub3A_130 = arith.subf %add3A_122, %get3A_37 : vector<16xf32>
      %abs3A_131 = math.absf %sub3A_130 : vector<16xf32>
      %mul3A_132 = arith.mulf %abs3A_131, %get3A_129 : vector<16xf32>
      %add3A_133 = arith.addf %add3A_105, %mul3A_132 : vector<16xf32>
      %add3A_134 = arith.constant 1.000000e+00 : f32
      %add3A_135 = vector.broadcast %add3A_134 : f32 to vector<16xf32>
      %add3A_136 = arith.addf %add3A_122, %add3A_135 : vector<16xf32>
      %mul3A_137 = arith.constant 16 : i32
      %mul3A_138 = arith.muli %scan3A_32, %mul3A_137 : i32
      %get3A_139 = arith.constant 7 : i32
      %get3A_140 = arith.index_cast %get3A_139 : i32 to index
      %get3A_141 = arith.index_cast %mul3A_138 : i32 to index
      %get3A_142 = tpu.vector_load %arg6[%get3A_140, %get3A_141] {strides = array<i32>} : memref<8x512xf32, #tpu.memory_space<vmem>>, vector<1x16xf32>,
      %get3A_143 = vector.shape_cast %get3A_142 : vector<1x16xf32> to vector<16xf32>
      %sub3A_144 = arith.subf %add3A_136, %get3A_37 : vector<16xf32>
      %abs3A_145 = math.absf %sub3A_144 : vector<16xf32>
      %mul3A_146 = arith.mulf %abs3A_145, %get3A_143 : vector<16xf32>
      %add3A_147 = arith.addf %add3A_119, %mul3A_146 : vector<16xf32>
      %add3A_148 = arith.constant 1.000000e+00 : f32
      %add3A_149 = vector.broadcast %add3A_148 : f32 to vector<16xf32>
      %add3A_150 = arith.addf %add3A_136, %add3A_149 : vector<16xf32>
      %add3A_151 = arith.addf %add3A_133, %add3A_147 : vector<16xf32>
      scf.yield %add3A_151 : vector<16xf32>
    }
    %scan3A_25 = arith.constant 32 : i32
    %mul3A_26 = arith.constant 6.10351591E-8 : f32
    %mul3A_27 = vector.broadcast %mul3A_26 : f32 to vector<16xf32>
    %mul3A_28 = arith.mulf %scan3A_24, %mul3A_27 : vector<16xf32>
    %swap3A = arith.constant 0 : index
    %swap3A_29 = tpu.vector_load %arg8[%swap3A] {strides = array<i32>} : memref<16xf32, #tpu.memory_space<vmem>>, vector<16xf32>,
    %swap3A_30 = vector.shape_cast %swap3A_29 : vector<16xf32> to vector<16xf32>
    %swap3A_31 = vector.shape_cast %mul3A_28 : vector<16xf32> to vector<16xf32>
    tpu.vector_store %arg8[%swap3A], %swap3A_31 {strides = array<i32>} : memref<16xf32, #tpu.memory_space<vmem>>, vector<16xf32>,
    "tpu.region"() ({
      %run_scoped3A = tpu.sem_alloc : memref<!tpu.dma_semaphore, #tpu.memory_space<semaphore_mem>>
      %dma_start3A_32 = arith.constant 0 : i32
      %dma_start3A_33 = tpu.memref_slice %arg4[%add3A, %dma_start3A_32] : memref<32x16xf32, #tpu.memory_space<hbm>> -> memref<1x16xf32, #tpu.memory_space<hbm>>
      %dma_start3A_34 = tpu.memref_squeeze %dma_start3A_33 : memref<1x16xf32, #tpu.memory_space<hbm>> -> memref<16xf32, #tpu.memory_space<hbm>>
      %dma_start3A_35 = arith.constant 0 : i32
      %dma_start3A_36 = tpu.memref_slice %arg4[%add3A, %dma_start3A_35] : memref<32x16xf32, #tpu.memory_space<hbm>> -> memref<1x16xf32, #tpu.memory_space<hbm>>
      %dma_start3A_37 = tpu.memref_squeeze %dma_start3A_36 : memref<1x16xf32, #tpu.memory_space<hbm>> -> memref<16xf32, #tpu.memory_space<hbm>>
      tpu.enqueue_dma source(%arg8 : memref<16xf32, #tpu.memory_space<vmem>>) target(%dma_start3A_37 : memref<16xf32, #tpu.memory_space<hbm>>) target_semaphore(%run_scoped3A : memref<!tpu.dma_semaphore, #tpu.memory_space<semaphore_mem>>)
      %dma_wait3A_38 = arith.constant 0 : i32
      %dma_wait3A_39 = tpu.memref_slice %arg4[%add3A, %dma_wait3A_38] : memref<32x16xf32, #tpu.memory_space<hbm>> -> memref<1x16xf32, #tpu.memory_space<hbm>>
      %dma_wait3A_40 = tpu.memref_squeeze %dma_wait3A_39 : memref<1x16xf32, #tpu.memory_space<hbm>> -> memref<16xf32, #tpu.memory_space<hbm>>
      %dma_wait3A_41 = arith.constant 0 : i32
      %dma_wait3A_42 = tpu.memref_slice %arg4[%add3A, %dma_wait3A_41] : memref<32x16xf32, #tpu.memory_space<hbm>> -> memref<1x16xf32, #tpu.memory_space<hbm>>
      %dma_wait3A_43 = tpu.memref_squeeze %dma_wait3A_42 : memref<1x16xf32, #tpu.memory_space<hbm>> -> memref<16xf32, #tpu.memory_space<hbm>>
      tpu.wait_dma2 semaphore(%run_scoped3A : memref<!tpu.dma_semaphore, #tpu.memory_space<semaphore_mem>>) src(%arg8 : memref<16xf32, #tpu.memory_space<vmem>>) dst(%dma_wait3A_43 : memref<16xf32, #tpu.memory_space<hbm>>)
      tpu.yield
    }) : () -> ()
    return
  }
}

module attributes {stable_mosaic.version = 14 : i64} {
  func.func @_tc_body(%arg0: i32, %arg1: memref<1x16384xf32, #tpu.memory_space<vmem>>, %arg2: memref<8x16384xf32, #tpu.memory_space<vmem>>, %arg3: memref<8x16384xf32, #tpu.memory_space<vmem>>, %arg4: memref<8x16384xf32, #tpu.memory_space<vmem>>, %arg5: memref<8x16384xf32, #tpu.memory_space<vmem>>, %arg6: memref<8x16384xf32, #tpu.memory_space<vmem>>, %arg7: memref<8x16384xf32, #tpu.memory_space<vmem>>, %arg8: memref<8x16384xf32, #tpu.memory_space<vmem>>, %arg9: memref<8x16384xf32, #tpu.memory_space<vmem>>, %arg10: memref<8x16384xf32, #tpu.memory_space<vmem>>, %arg11: memref<8x16384xf32, #tpu.memory_space<vmem>>, %arg12: memref<8x16384xf32, #tpu.memory_space<vmem>>, %arg13: memref<8x16384xf32, #tpu.memory_space<vmem>>, %arg14: memref<8x16384xf32, #tpu.memory_space<vmem>>, %arg15: memref<8x16384xf32, #tpu.memory_space<vmem>>, %arg16: memref<8x16384xf32, #tpu.memory_space<vmem>>, %arg17: memref<8x16384xf32, #tpu.memory_space<vmem>>, %arg18: memref<8x16384xf32, #tpu.memory_space<vmem>>, %arg19: memref<8x16384xf32, #tpu.memory_space<vmem>>, %arg20: memref<8x16384xf32, #tpu.memory_space<vmem>>, %arg21: memref<8x16384xf32, #tpu.memory_space<vmem>>, %arg22: memref<8x16384xf32, #tpu.memory_space<vmem>>, %arg23: memref<8x16384xf32, #tpu.memory_space<vmem>>, %arg24: memref<8x16384xf32, #tpu.memory_space<vmem>>, %arg25: memref<8x16384xf32, #tpu.memory_space<vmem>>, %arg26: memref<8x16384xf32, #tpu.memory_space<vmem>>, %arg27: memref<8x16384xf32, #tpu.memory_space<vmem>>, %arg28: memref<8x16384xf32, #tpu.memory_space<vmem>>, %arg29: memref<8x16384xf32, #tpu.memory_space<vmem>>, %arg30: memref<1x1xf32, #tpu.memory_space<smem>>) attributes {dimension_semantics = [#tpu.dimension_semantics<arbitrary>], iteration_bounds = array<i64: 4>, scalar_prefetch = 0 : i64, scratch_operands = 0 : i64, tpu.core_type = #tpu.core_type<tc>, window_params = [{pipeline_mode = #tpu.pipeline_mode<synchronous>, transform_indices = @transform_0, window_bounds = array<i64: 1, 16384>}, {transform_indices = @transform_1, window_bounds = array<i64: 8, 16384>}, {transform_indices = @transform_2, window_bounds = array<i64: 8, 16384>}, {transform_indices = @transform_3, window_bounds = array<i64: 8, 16384>}, {transform_indices = @transform_4, window_bounds = array<i64: 8, 16384>}, {transform_indices = @transform_5, window_bounds = array<i64: 8, 16384>}, {transform_indices = @transform_6, window_bounds = array<i64: 8, 16384>}, {transform_indices = @transform_7, window_bounds = array<i64: 8, 16384>}, {transform_indices = @transform_8, window_bounds = array<i64: 8, 16384>}, {transform_indices = @transform_9, window_bounds = array<i64: 8, 16384>}, {transform_indices = @transform_10, window_bounds = array<i64: 8, 16384>}, {transform_indices = @transform_11, window_bounds = array<i64: 8, 16384>}, {transform_indices = @transform_12, window_bounds = array<i64: 8, 16384>}, {transform_indices = @transform_13, window_bounds = array<i64: 8, 16384>}, {transform_indices = @transform_14, window_bounds = array<i64: 8, 16384>}, {transform_indices = @transform_15, window_bounds = array<i64: 8, 16384>}, {transform_indices = @transform_16, window_bounds = array<i64: 8, 16384>}, {transform_indices = @transform_17, window_bounds = array<i64: 8, 16384>}, {transform_indices = @transform_18, window_bounds = array<i64: 8, 16384>}, {transform_indices = @transform_19, window_bounds = array<i64: 8, 16384>}, {transform_indices = @transform_20, window_bounds = array<i64: 8, 16384>}, {transform_indices = @transform_21, window_bounds = array<i64: 8, 16384>}, {transform_indices = @transform_22, window_bounds = array<i64: 8, 16384>}, {transform_indices = @transform_23, window_bounds = array<i64: 8, 16384>}, {transform_indices = @transform_24, window_bounds = array<i64: 8, 16384>}, {transform_indices = @transform_25, window_bounds = array<i64: 8, 16384>}, {transform_indices = @transform_26, window_bounds = array<i64: 8, 16384>}, {transform_indices = @transform_27, window_bounds = array<i64: 8, 16384>}, {transform_indices = @transform_28, window_bounds = array<i64: 8, 16384>}, {transform_indices = @transform_29, window_bounds = array<i64: 1, 1>}]} {
    %get3A = arith.constant 0 : index
    %get3A_0 = arith.constant 0 : index
    %get3A_1 = vector.load %arg1[%get3A, %get3A_0] : memref<1x16384xf32, #tpu.memory_space<vmem>>, vector<1x16384xf32>
    %mul3A = arith.constant 28 : i32
    %mul3A_2 = arith.muli %mul3A, %arg0 : i32
    %add3A = arith.constant 0 : i32
    %add3A_3 = arith.addi %mul3A_2, %add3A : i32
    %mul3A_4 = arith.constant 8 : i32
    %mul3A_5 = arith.muli %add3A_3, %mul3A_4 : i32
    %iota3A = tpu.iota {dimensions = array<i32: 0>} : vector<8x16384xi32>
    %add3A_6 = vector.broadcast %mul3A_5 : i32 to vector<8x16384xi32>
    %add3A_7 = arith.addi %iota3A, %add3A_6 : vector<8x16384xi32>
    %convert_element_type3A = arith.sitofp %add3A_7 : vector<8x16384xi32> to vector<8x16384xf32>
    %sub3A = vector.broadcast %get3A_1 : vector<1x16384xf32> to vector<8x16384xf32>
    %sub3A_8 = arith.subf %convert_element_type3A, %sub3A : vector<8x16384xf32>
    %abs3A = math.absf %sub3A_8 : vector<8x16384xf32>
    %mul3A_9 = arith.constant 6.10351591E-8 : f32
    %mul3A_10 = vector.broadcast %mul3A_9 : f32 to vector<8x16384xf32>
    %mul3A_11 = arith.mulf %abs3A, %mul3A_10 : vector<8x16384xf32>
    %get3A_12 = arith.constant 0 : index
    %get3A_13 = arith.constant 0 : index
    %get3A_14 = vector.load %arg2[%get3A_12, %get3A_13] : memref<8x16384xf32, #tpu.memory_space<vmem>>, vector<8x16384xf32>
    %mul3A_15 = arith.mulf %mul3A_11, %get3A_14 : vector<8x16384xf32>
    %reduce_sum3A = vector.shape_cast %mul3A_15 : vector<8x16384xf32> to vector<1x8x16384xf32>
    %reduce_sum3A_16 = arith.constant dense<0.000000e+00> : vector<1xf32>
    %reduce_sum3A_17 = vector.multi_reduction <add>, %reduce_sum3A, %reduce_sum3A_16 [1, 2] : vector<1x8x16384xf32> to vector<1xf32>
    %reduce_sum3A_18 = vector.shape_cast %reduce_sum3A_17 : vector<1xf32> to vector<1x1x1xf32>
    %reduce_sum3A_19 = vector.extract %reduce_sum3A_18[0, 0, 0] : f32 from vector<1x1x1xf32>
    %add3A_20 = arith.constant 0.000000e+00 : f32
    %add3A_21 = arith.addf %add3A_20, %reduce_sum3A_19 : f32
    %mul3A_22 = arith.constant 28 : i32
    %mul3A_23 = arith.muli %mul3A_22, %arg0 : i32
    %add3A_24 = arith.constant 1 : i32
    %add3A_25 = arith.addi %mul3A_23, %add3A_24 : i32
    %mul3A_26 = arith.constant 8 : i32
    %mul3A_27 = arith.muli %add3A_25, %mul3A_26 : i32
    %iota3A_28 = tpu.iota {dimensions = array<i32: 0>} : vector<8x16384xi32>
    %add3A_29 = vector.broadcast %mul3A_27 : i32 to vector<8x16384xi32>
    %add3A_30 = arith.addi %iota3A_28, %add3A_29 : vector<8x16384xi32>
    %convert_element_type3A_31 = arith.sitofp %add3A_30 : vector<8x16384xi32> to vector<8x16384xf32>
    %sub3A_32 = vector.broadcast %get3A_1 : vector<1x16384xf32> to vector<8x16384xf32>
    %sub3A_33 = arith.subf %convert_element_type3A_31, %sub3A_32 : vector<8x16384xf32>
    %abs3A_34 = math.absf %sub3A_33 : vector<8x16384xf32>
    %mul3A_35 = arith.constant 6.10351591E-8 : f32
    %mul3A_36 = vector.broadcast %mul3A_35 : f32 to vector<8x16384xf32>
    %mul3A_37 = arith.mulf %abs3A_34, %mul3A_36 : vector<8x16384xf32>
    %get3A_38 = arith.constant 0 : index
    %get3A_39 = arith.constant 0 : index
    %get3A_40 = vector.load %arg3[%get3A_38, %get3A_39] : memref<8x16384xf32, #tpu.memory_space<vmem>>, vector<8x16384xf32>
    %mul3A_41 = arith.mulf %mul3A_37, %get3A_40 : vector<8x16384xf32>
    %reduce_sum3A_42 = vector.shape_cast %mul3A_41 : vector<8x16384xf32> to vector<1x8x16384xf32>
    %reduce_sum3A_43 = arith.constant dense<0.000000e+00> : vector<1xf32>
    %reduce_sum3A_44 = vector.multi_reduction <add>, %reduce_sum3A_42, %reduce_sum3A_43 [1, 2] : vector<1x8x16384xf32> to vector<1xf32>
    %reduce_sum3A_45 = vector.shape_cast %reduce_sum3A_44 : vector<1xf32> to vector<1x1x1xf32>
    %reduce_sum3A_46 = vector.extract %reduce_sum3A_45[0, 0, 0] : f32 from vector<1x1x1xf32>
    %add3A_47 = arith.addf %add3A_21, %reduce_sum3A_46 : f32
    %mul3A_48 = arith.constant 28 : i32
    %mul3A_49 = arith.muli %mul3A_48, %arg0 : i32
    %add3A_50 = arith.constant 2 : i32
    %add3A_51 = arith.addi %mul3A_49, %add3A_50 : i32
    %mul3A_52 = arith.constant 8 : i32
    %mul3A_53 = arith.muli %add3A_51, %mul3A_52 : i32
    %iota3A_54 = tpu.iota {dimensions = array<i32: 0>} : vector<8x16384xi32>
    %add3A_55 = vector.broadcast %mul3A_53 : i32 to vector<8x16384xi32>
    %add3A_56 = arith.addi %iota3A_54, %add3A_55 : vector<8x16384xi32>
    %convert_element_type3A_57 = arith.sitofp %add3A_56 : vector<8x16384xi32> to vector<8x16384xf32>
    %sub3A_58 = vector.broadcast %get3A_1 : vector<1x16384xf32> to vector<8x16384xf32>
    %sub3A_59 = arith.subf %convert_element_type3A_57, %sub3A_58 : vector<8x16384xf32>
    %abs3A_60 = math.absf %sub3A_59 : vector<8x16384xf32>
    %mul3A_61 = arith.constant 6.10351591E-8 : f32
    %mul3A_62 = vector.broadcast %mul3A_61 : f32 to vector<8x16384xf32>
    %mul3A_63 = arith.mulf %abs3A_60, %mul3A_62 : vector<8x16384xf32>
    %get3A_64 = arith.constant 0 : index
    %get3A_65 = arith.constant 0 : index
    %get3A_66 = vector.load %arg4[%get3A_64, %get3A_65] : memref<8x16384xf32, #tpu.memory_space<vmem>>, vector<8x16384xf32>
    %mul3A_67 = arith.mulf %mul3A_63, %get3A_66 : vector<8x16384xf32>
    %reduce_sum3A_68 = vector.shape_cast %mul3A_67 : vector<8x16384xf32> to vector<1x8x16384xf32>
    %reduce_sum3A_69 = arith.constant dense<0.000000e+00> : vector<1xf32>
    %reduce_sum3A_70 = vector.multi_reduction <add>, %reduce_sum3A_68, %reduce_sum3A_69 [1, 2] : vector<1x8x16384xf32> to vector<1xf32>
    %reduce_sum3A_71 = vector.shape_cast %reduce_sum3A_70 : vector<1xf32> to vector<1x1x1xf32>
    %reduce_sum3A_72 = vector.extract %reduce_sum3A_71[0, 0, 0] : f32 from vector<1x1x1xf32>
    %add3A_73 = arith.addf %add3A_47, %reduce_sum3A_72 : f32
    %mul3A_74 = arith.constant 28 : i32
    %mul3A_75 = arith.muli %mul3A_74, %arg0 : i32
    %add3A_76 = arith.constant 3 : i32
    %add3A_77 = arith.addi %mul3A_75, %add3A_76 : i32
    %mul3A_78 = arith.constant 8 : i32
    %mul3A_79 = arith.muli %add3A_77, %mul3A_78 : i32
    %iota3A_80 = tpu.iota {dimensions = array<i32: 0>} : vector<8x16384xi32>
    %add3A_81 = vector.broadcast %mul3A_79 : i32 to vector<8x16384xi32>
    %add3A_82 = arith.addi %iota3A_80, %add3A_81 : vector<8x16384xi32>
    %convert_element_type3A_83 = arith.sitofp %add3A_82 : vector<8x16384xi32> to vector<8x16384xf32>
    %sub3A_84 = vector.broadcast %get3A_1 : vector<1x16384xf32> to vector<8x16384xf32>
    %sub3A_85 = arith.subf %convert_element_type3A_83, %sub3A_84 : vector<8x16384xf32>
    %abs3A_86 = math.absf %sub3A_85 : vector<8x16384xf32>
    %mul3A_87 = arith.constant 6.10351591E-8 : f32
    %mul3A_88 = vector.broadcast %mul3A_87 : f32 to vector<8x16384xf32>
    %mul3A_89 = arith.mulf %abs3A_86, %mul3A_88 : vector<8x16384xf32>
    %get3A_90 = arith.constant 0 : index
    %get3A_91 = arith.constant 0 : index
    %get3A_92 = vector.load %arg5[%get3A_90, %get3A_91] : memref<8x16384xf32, #tpu.memory_space<vmem>>, vector<8x16384xf32>
    %mul3A_93 = arith.mulf %mul3A_89, %get3A_92 : vector<8x16384xf32>
    %reduce_sum3A_94 = vector.shape_cast %mul3A_93 : vector<8x16384xf32> to vector<1x8x16384xf32>
    %reduce_sum3A_95 = arith.constant dense<0.000000e+00> : vector<1xf32>
    %reduce_sum3A_96 = vector.multi_reduction <add>, %reduce_sum3A_94, %reduce_sum3A_95 [1, 2] : vector<1x8x16384xf32> to vector<1xf32>
    %reduce_sum3A_97 = vector.shape_cast %reduce_sum3A_96 : vector<1xf32> to vector<1x1x1xf32>
    %reduce_sum3A_98 = vector.extract %reduce_sum3A_97[0, 0, 0] : f32 from vector<1x1x1xf32>
    %add3A_99 = arith.addf %add3A_73, %reduce_sum3A_98 : f32
    %mul3A_100 = arith.constant 28 : i32
    %mul3A_101 = arith.muli %mul3A_100, %arg0 : i32
    %add3A_102 = arith.constant 4 : i32
    %add3A_103 = arith.addi %mul3A_101, %add3A_102 : i32
    %mul3A_104 = arith.constant 8 : i32
    %mul3A_105 = arith.muli %add3A_103, %mul3A_104 : i32
    %iota3A_106 = tpu.iota {dimensions = array<i32: 0>} : vector<8x16384xi32>
    %add3A_107 = vector.broadcast %mul3A_105 : i32 to vector<8x16384xi32>
    %add3A_108 = arith.addi %iota3A_106, %add3A_107 : vector<8x16384xi32>
    %convert_element_type3A_109 = arith.sitofp %add3A_108 : vector<8x16384xi32> to vector<8x16384xf32>
    %sub3A_110 = vector.broadcast %get3A_1 : vector<1x16384xf32> to vector<8x16384xf32>
    %sub3A_111 = arith.subf %convert_element_type3A_109, %sub3A_110 : vector<8x16384xf32>
    %abs3A_112 = math.absf %sub3A_111 : vector<8x16384xf32>
    %mul3A_113 = arith.constant 6.10351591E-8 : f32
    %mul3A_114 = vector.broadcast %mul3A_113 : f32 to vector<8x16384xf32>
    %mul3A_115 = arith.mulf %abs3A_112, %mul3A_114 : vector<8x16384xf32>
    %get3A_116 = arith.constant 0 : index
    %get3A_117 = arith.constant 0 : index
    %get3A_118 = vector.load %arg6[%get3A_116, %get3A_117] : memref<8x16384xf32, #tpu.memory_space<vmem>>, vector<8x16384xf32>
    %mul3A_119 = arith.mulf %mul3A_115, %get3A_118 : vector<8x16384xf32>
    %reduce_sum3A_120 = vector.shape_cast %mul3A_119 : vector<8x16384xf32> to vector<1x8x16384xf32>
    %reduce_sum3A_121 = arith.constant dense<0.000000e+00> : vector<1xf32>
    %reduce_sum3A_122 = vector.multi_reduction <add>, %reduce_sum3A_120, %reduce_sum3A_121 [1, 2] : vector<1x8x16384xf32> to vector<1xf32>
    %reduce_sum3A_123 = vector.shape_cast %reduce_sum3A_122 : vector<1xf32> to vector<1x1x1xf32>
    %reduce_sum3A_124 = vector.extract %reduce_sum3A_123[0, 0, 0] : f32 from vector<1x1x1xf32>
    %add3A_125 = arith.addf %add3A_99, %reduce_sum3A_124 : f32
    %mul3A_126 = arith.constant 28 : i32
    %mul3A_127 = arith.muli %mul3A_126, %arg0 : i32
    %add3A_128 = arith.constant 5 : i32
    %add3A_129 = arith.addi %mul3A_127, %add3A_128 : i32
    %mul3A_130 = arith.constant 8 : i32
    %mul3A_131 = arith.muli %add3A_129, %mul3A_130 : i32
    %iota3A_132 = tpu.iota {dimensions = array<i32: 0>} : vector<8x16384xi32>
    %add3A_133 = vector.broadcast %mul3A_131 : i32 to vector<8x16384xi32>
    %add3A_134 = arith.addi %iota3A_132, %add3A_133 : vector<8x16384xi32>
    %convert_element_type3A_135 = arith.sitofp %add3A_134 : vector<8x16384xi32> to vector<8x16384xf32>
    %sub3A_136 = vector.broadcast %get3A_1 : vector<1x16384xf32> to vector<8x16384xf32>
    %sub3A_137 = arith.subf %convert_element_type3A_135, %sub3A_136 : vector<8x16384xf32>
    %abs3A_138 = math.absf %sub3A_137 : vector<8x16384xf32>
    %mul3A_139 = arith.constant 6.10351591E-8 : f32
    %mul3A_140 = vector.broadcast %mul3A_139 : f32 to vector<8x16384xf32>
    %mul3A_141 = arith.mulf %abs3A_138, %mul3A_140 : vector<8x16384xf32>
    %get3A_142 = arith.constant 0 : index
    %get3A_143 = arith.constant 0 : index
    %get3A_144 = vector.load %arg7[%get3A_142, %get3A_143] : memref<8x16384xf32, #tpu.memory_space<vmem>>, vector<8x16384xf32>
    %mul3A_145 = arith.mulf %mul3A_141, %get3A_144 : vector<8x16384xf32>
    %reduce_sum3A_146 = vector.shape_cast %mul3A_145 : vector<8x16384xf32> to vector<1x8x16384xf32>
    %reduce_sum3A_147 = arith.constant dense<0.000000e+00> : vector<1xf32>
    %reduce_sum3A_148 = vector.multi_reduction <add>, %reduce_sum3A_146, %reduce_sum3A_147 [1, 2] : vector<1x8x16384xf32> to vector<1xf32>
    %reduce_sum3A_149 = vector.shape_cast %reduce_sum3A_148 : vector<1xf32> to vector<1x1x1xf32>
    %reduce_sum3A_150 = vector.extract %reduce_sum3A_149[0, 0, 0] : f32 from vector<1x1x1xf32>
    %add3A_151 = arith.addf %add3A_125, %reduce_sum3A_150 : f32
    %mul3A_152 = arith.constant 28 : i32
    %mul3A_153 = arith.muli %mul3A_152, %arg0 : i32
    %add3A_154 = arith.constant 6 : i32
    %add3A_155 = arith.addi %mul3A_153, %add3A_154 : i32
    %mul3A_156 = arith.constant 8 : i32
    %mul3A_157 = arith.muli %add3A_155, %mul3A_156 : i32
    %iota3A_158 = tpu.iota {dimensions = array<i32: 0>} : vector<8x16384xi32>
    %add3A_159 = vector.broadcast %mul3A_157 : i32 to vector<8x16384xi32>
    %add3A_160 = arith.addi %iota3A_158, %add3A_159 : vector<8x16384xi32>
    %convert_element_type3A_161 = arith.sitofp %add3A_160 : vector<8x16384xi32> to vector<8x16384xf32>
    %sub3A_162 = vector.broadcast %get3A_1 : vector<1x16384xf32> to vector<8x16384xf32>
    %sub3A_163 = arith.subf %convert_element_type3A_161, %sub3A_162 : vector<8x16384xf32>
    %abs3A_164 = math.absf %sub3A_163 : vector<8x16384xf32>
    %mul3A_165 = arith.constant 6.10351591E-8 : f32
    %mul3A_166 = vector.broadcast %mul3A_165 : f32 to vector<8x16384xf32>
    %mul3A_167 = arith.mulf %abs3A_164, %mul3A_166 : vector<8x16384xf32>
    %get3A_168 = arith.constant 0 : index
    %get3A_169 = arith.constant 0 : index
    %get3A_170 = vector.load %arg8[%get3A_168, %get3A_169] : memref<8x16384xf32, #tpu.memory_space<vmem>>, vector<8x16384xf32>
    %mul3A_171 = arith.mulf %mul3A_167, %get3A_170 : vector<8x16384xf32>
    %reduce_sum3A_172 = vector.shape_cast %mul3A_171 : vector<8x16384xf32> to vector<1x8x16384xf32>
    %reduce_sum3A_173 = arith.constant dense<0.000000e+00> : vector<1xf32>
    %reduce_sum3A_174 = vector.multi_reduction <add>, %reduce_sum3A_172, %reduce_sum3A_173 [1, 2] : vector<1x8x16384xf32> to vector<1xf32>
    %reduce_sum3A_175 = vector.shape_cast %reduce_sum3A_174 : vector<1xf32> to vector<1x1x1xf32>
    %reduce_sum3A_176 = vector.extract %reduce_sum3A_175[0, 0, 0] : f32 from vector<1x1x1xf32>
    %add3A_177 = arith.addf %add3A_151, %reduce_sum3A_176 : f32
    %mul3A_178 = arith.constant 28 : i32
    %mul3A_179 = arith.muli %mul3A_178, %arg0 : i32
    %add3A_180 = arith.constant 7 : i32
    %add3A_181 = arith.addi %mul3A_179, %add3A_180 : i32
    %mul3A_182 = arith.constant 8 : i32
    %mul3A_183 = arith.muli %add3A_181, %mul3A_182 : i32
    %iota3A_184 = tpu.iota {dimensions = array<i32: 0>} : vector<8x16384xi32>
    %add3A_185 = vector.broadcast %mul3A_183 : i32 to vector<8x16384xi32>
    %add3A_186 = arith.addi %iota3A_184, %add3A_185 : vector<8x16384xi32>
    %convert_element_type3A_187 = arith.sitofp %add3A_186 : vector<8x16384xi32> to vector<8x16384xf32>
    %sub3A_188 = vector.broadcast %get3A_1 : vector<1x16384xf32> to vector<8x16384xf32>
    %sub3A_189 = arith.subf %convert_element_type3A_187, %sub3A_188 : vector<8x16384xf32>
    %abs3A_190 = math.absf %sub3A_189 : vector<8x16384xf32>
    %mul3A_191 = arith.constant 6.10351591E-8 : f32
    %mul3A_192 = vector.broadcast %mul3A_191 : f32 to vector<8x16384xf32>
    %mul3A_193 = arith.mulf %abs3A_190, %mul3A_192 : vector<8x16384xf32>
    %get3A_194 = arith.constant 0 : index
    %get3A_195 = arith.constant 0 : index
    %get3A_196 = vector.load %arg9[%get3A_194, %get3A_195] : memref<8x16384xf32, #tpu.memory_space<vmem>>, vector<8x16384xf32>
    %mul3A_197 = arith.mulf %mul3A_193, %get3A_196 : vector<8x16384xf32>
    %reduce_sum3A_198 = vector.shape_cast %mul3A_197 : vector<8x16384xf32> to vector<1x8x16384xf32>
    %reduce_sum3A_199 = arith.constant dense<0.000000e+00> : vector<1xf32>
    %reduce_sum3A_200 = vector.multi_reduction <add>, %reduce_sum3A_198, %reduce_sum3A_199 [1, 2] : vector<1x8x16384xf32> to vector<1xf32>
    %reduce_sum3A_201 = vector.shape_cast %reduce_sum3A_200 : vector<1xf32> to vector<1x1x1xf32>
    %reduce_sum3A_202 = vector.extract %reduce_sum3A_201[0, 0, 0] : f32 from vector<1x1x1xf32>
    %add3A_203 = arith.addf %add3A_177, %reduce_sum3A_202 : f32
    %mul3A_204 = arith.constant 28 : i32
    %mul3A_205 = arith.muli %mul3A_204, %arg0 : i32
    %add3A_206 = arith.constant 8 : i32
    %add3A_207 = arith.addi %mul3A_205, %add3A_206 : i32
    %mul3A_208 = arith.constant 8 : i32
    %mul3A_209 = arith.muli %add3A_207, %mul3A_208 : i32
    %iota3A_210 = tpu.iota {dimensions = array<i32: 0>} : vector<8x16384xi32>
    %add3A_211 = vector.broadcast %mul3A_209 : i32 to vector<8x16384xi32>
    %add3A_212 = arith.addi %iota3A_210, %add3A_211 : vector<8x16384xi32>
    %convert_element_type3A_213 = arith.sitofp %add3A_212 : vector<8x16384xi32> to vector<8x16384xf32>
    %sub3A_214 = vector.broadcast %get3A_1 : vector<1x16384xf32> to vector<8x16384xf32>
    %sub3A_215 = arith.subf %convert_element_type3A_213, %sub3A_214 : vector<8x16384xf32>
    %abs3A_216 = math.absf %sub3A_215 : vector<8x16384xf32>
    %mul3A_217 = arith.constant 6.10351591E-8 : f32
    %mul3A_218 = vector.broadcast %mul3A_217 : f32 to vector<8x16384xf32>
    %mul3A_219 = arith.mulf %abs3A_216, %mul3A_218 : vector<8x16384xf32>
    %get3A_220 = arith.constant 0 : index
    %get3A_221 = arith.constant 0 : index
    %get3A_222 = vector.load %arg10[%get3A_220, %get3A_221] : memref<8x16384xf32, #tpu.memory_space<vmem>>, vector<8x16384xf32>
    %mul3A_223 = arith.mulf %mul3A_219, %get3A_222 : vector<8x16384xf32>
    %reduce_sum3A_224 = vector.shape_cast %mul3A_223 : vector<8x16384xf32> to vector<1x8x16384xf32>
    %reduce_sum3A_225 = arith.constant dense<0.000000e+00> : vector<1xf32>
    %reduce_sum3A_226 = vector.multi_reduction <add>, %reduce_sum3A_224, %reduce_sum3A_225 [1, 2] : vector<1x8x16384xf32> to vector<1xf32>
    %reduce_sum3A_227 = vector.shape_cast %reduce_sum3A_226 : vector<1xf32> to vector<1x1x1xf32>
    %reduce_sum3A_228 = vector.extract %reduce_sum3A_227[0, 0, 0] : f32 from vector<1x1x1xf32>
    %add3A_229 = arith.addf %add3A_203, %reduce_sum3A_228 : f32
    %mul3A_230 = arith.constant 28 : i32
    %mul3A_231 = arith.muli %mul3A_230, %arg0 : i32
    %add3A_232 = arith.constant 9 : i32
    %add3A_233 = arith.addi %mul3A_231, %add3A_232 : i32
    %mul3A_234 = arith.constant 8 : i32
    %mul3A_235 = arith.muli %add3A_233, %mul3A_234 : i32
    %iota3A_236 = tpu.iota {dimensions = array<i32: 0>} : vector<8x16384xi32>
    %add3A_237 = vector.broadcast %mul3A_235 : i32 to vector<8x16384xi32>
    %add3A_238 = arith.addi %iota3A_236, %add3A_237 : vector<8x16384xi32>
    %convert_element_type3A_239 = arith.sitofp %add3A_238 : vector<8x16384xi32> to vector<8x16384xf32>
    %sub3A_240 = vector.broadcast %get3A_1 : vector<1x16384xf32> to vector<8x16384xf32>
    %sub3A_241 = arith.subf %convert_element_type3A_239, %sub3A_240 : vector<8x16384xf32>
    %abs3A_242 = math.absf %sub3A_241 : vector<8x16384xf32>
    %mul3A_243 = arith.constant 6.10351591E-8 : f32
    %mul3A_244 = vector.broadcast %mul3A_243 : f32 to vector<8x16384xf32>
    %mul3A_245 = arith.mulf %abs3A_242, %mul3A_244 : vector<8x16384xf32>
    %get3A_246 = arith.constant 0 : index
    %get3A_247 = arith.constant 0 : index
    %get3A_248 = vector.load %arg11[%get3A_246, %get3A_247] : memref<8x16384xf32, #tpu.memory_space<vmem>>, vector<8x16384xf32>
    %mul3A_249 = arith.mulf %mul3A_245, %get3A_248 : vector<8x16384xf32>
    %reduce_sum3A_250 = vector.shape_cast %mul3A_249 : vector<8x16384xf32> to vector<1x8x16384xf32>
    %reduce_sum3A_251 = arith.constant dense<0.000000e+00> : vector<1xf32>
    %reduce_sum3A_252 = vector.multi_reduction <add>, %reduce_sum3A_250, %reduce_sum3A_251 [1, 2] : vector<1x8x16384xf32> to vector<1xf32>
    %reduce_sum3A_253 = vector.shape_cast %reduce_sum3A_252 : vector<1xf32> to vector<1x1x1xf32>
    %reduce_sum3A_254 = vector.extract %reduce_sum3A_253[0, 0, 0] : f32 from vector<1x1x1xf32>
    %add3A_255 = arith.addf %add3A_229, %reduce_sum3A_254 : f32
    %mul3A_256 = arith.constant 28 : i32
    %mul3A_257 = arith.muli %mul3A_256, %arg0 : i32
    %add3A_258 = arith.constant 10 : i32
    %add3A_259 = arith.addi %mul3A_257, %add3A_258 : i32
    %mul3A_260 = arith.constant 8 : i32
    %mul3A_261 = arith.muli %add3A_259, %mul3A_260 : i32
    %iota3A_262 = tpu.iota {dimensions = array<i32: 0>} : vector<8x16384xi32>
    %add3A_263 = vector.broadcast %mul3A_261 : i32 to vector<8x16384xi32>
    %add3A_264 = arith.addi %iota3A_262, %add3A_263 : vector<8x16384xi32>
    %convert_element_type3A_265 = arith.sitofp %add3A_264 : vector<8x16384xi32> to vector<8x16384xf32>
    %sub3A_266 = vector.broadcast %get3A_1 : vector<1x16384xf32> to vector<8x16384xf32>
    %sub3A_267 = arith.subf %convert_element_type3A_265, %sub3A_266 : vector<8x16384xf32>
    %abs3A_268 = math.absf %sub3A_267 : vector<8x16384xf32>
    %mul3A_269 = arith.constant 6.10351591E-8 : f32
    %mul3A_270 = vector.broadcast %mul3A_269 : f32 to vector<8x16384xf32>
    %mul3A_271 = arith.mulf %abs3A_268, %mul3A_270 : vector<8x16384xf32>
    %get3A_272 = arith.constant 0 : index
    %get3A_273 = arith.constant 0 : index
    %get3A_274 = vector.load %arg12[%get3A_272, %get3A_273] : memref<8x16384xf32, #tpu.memory_space<vmem>>, vector<8x16384xf32>
    %mul3A_275 = arith.mulf %mul3A_271, %get3A_274 : vector<8x16384xf32>
    %reduce_sum3A_276 = vector.shape_cast %mul3A_275 : vector<8x16384xf32> to vector<1x8x16384xf32>
    %reduce_sum3A_277 = arith.constant dense<0.000000e+00> : vector<1xf32>
    %reduce_sum3A_278 = vector.multi_reduction <add>, %reduce_sum3A_276, %reduce_sum3A_277 [1, 2] : vector<1x8x16384xf32> to vector<1xf32>
    %reduce_sum3A_279 = vector.shape_cast %reduce_sum3A_278 : vector<1xf32> to vector<1x1x1xf32>
    %reduce_sum3A_280 = vector.extract %reduce_sum3A_279[0, 0, 0] : f32 from vector<1x1x1xf32>
    %add3A_281 = arith.addf %add3A_255, %reduce_sum3A_280 : f32
    %mul3A_282 = arith.constant 28 : i32
    %mul3A_283 = arith.muli %mul3A_282, %arg0 : i32
    %add3A_284 = arith.constant 11 : i32
    %add3A_285 = arith.addi %mul3A_283, %add3A_284 : i32
    %mul3A_286 = arith.constant 8 : i32
    %mul3A_287 = arith.muli %add3A_285, %mul3A_286 : i32
    %iota3A_288 = tpu.iota {dimensions = array<i32: 0>} : vector<8x16384xi32>
    %add3A_289 = vector.broadcast %mul3A_287 : i32 to vector<8x16384xi32>
    %add3A_290 = arith.addi %iota3A_288, %add3A_289 : vector<8x16384xi32>
    %convert_element_type3A_291 = arith.sitofp %add3A_290 : vector<8x16384xi32> to vector<8x16384xf32>
    %sub3A_292 = vector.broadcast %get3A_1 : vector<1x16384xf32> to vector<8x16384xf32>
    %sub3A_293 = arith.subf %convert_element_type3A_291, %sub3A_292 : vector<8x16384xf32>
    %abs3A_294 = math.absf %sub3A_293 : vector<8x16384xf32>
    %mul3A_295 = arith.constant 6.10351591E-8 : f32
    %mul3A_296 = vector.broadcast %mul3A_295 : f32 to vector<8x16384xf32>
    %mul3A_297 = arith.mulf %abs3A_294, %mul3A_296 : vector<8x16384xf32>
    %get3A_298 = arith.constant 0 : index
    %get3A_299 = arith.constant 0 : index
    %get3A_300 = vector.load %arg13[%get3A_298, %get3A_299] : memref<8x16384xf32, #tpu.memory_space<vmem>>, vector<8x16384xf32>
    %mul3A_301 = arith.mulf %mul3A_297, %get3A_300 : vector<8x16384xf32>
    %reduce_sum3A_302 = vector.shape_cast %mul3A_301 : vector<8x16384xf32> to vector<1x8x16384xf32>
    %reduce_sum3A_303 = arith.constant dense<0.000000e+00> : vector<1xf32>
    %reduce_sum3A_304 = vector.multi_reduction <add>, %reduce_sum3A_302, %reduce_sum3A_303 [1, 2] : vector<1x8x16384xf32> to vector<1xf32>
    %reduce_sum3A_305 = vector.shape_cast %reduce_sum3A_304 : vector<1xf32> to vector<1x1x1xf32>
    %reduce_sum3A_306 = vector.extract %reduce_sum3A_305[0, 0, 0] : f32 from vector<1x1x1xf32>
    %add3A_307 = arith.addf %add3A_281, %reduce_sum3A_306 : f32
    %mul3A_308 = arith.constant 28 : i32
    %mul3A_309 = arith.muli %mul3A_308, %arg0 : i32
    %add3A_310 = arith.constant 12 : i32
    %add3A_311 = arith.addi %mul3A_309, %add3A_310 : i32
    %mul3A_312 = arith.constant 8 : i32
    %mul3A_313 = arith.muli %add3A_311, %mul3A_312 : i32
    %iota3A_314 = tpu.iota {dimensions = array<i32: 0>} : vector<8x16384xi32>
    %add3A_315 = vector.broadcast %mul3A_313 : i32 to vector<8x16384xi32>
    %add3A_316 = arith.addi %iota3A_314, %add3A_315 : vector<8x16384xi32>
    %convert_element_type3A_317 = arith.sitofp %add3A_316 : vector<8x16384xi32> to vector<8x16384xf32>
    %sub3A_318 = vector.broadcast %get3A_1 : vector<1x16384xf32> to vector<8x16384xf32>
    %sub3A_319 = arith.subf %convert_element_type3A_317, %sub3A_318 : vector<8x16384xf32>
    %abs3A_320 = math.absf %sub3A_319 : vector<8x16384xf32>
    %mul3A_321 = arith.constant 6.10351591E-8 : f32
    %mul3A_322 = vector.broadcast %mul3A_321 : f32 to vector<8x16384xf32>
    %mul3A_323 = arith.mulf %abs3A_320, %mul3A_322 : vector<8x16384xf32>
    %get3A_324 = arith.constant 0 : index
    %get3A_325 = arith.constant 0 : index
    %get3A_326 = vector.load %arg14[%get3A_324, %get3A_325] : memref<8x16384xf32, #tpu.memory_space<vmem>>, vector<8x16384xf32>
    %mul3A_327 = arith.mulf %mul3A_323, %get3A_326 : vector<8x16384xf32>
    %reduce_sum3A_328 = vector.shape_cast %mul3A_327 : vector<8x16384xf32> to vector<1x8x16384xf32>
    %reduce_sum3A_329 = arith.constant dense<0.000000e+00> : vector<1xf32>
    %reduce_sum3A_330 = vector.multi_reduction <add>, %reduce_sum3A_328, %reduce_sum3A_329 [1, 2] : vector<1x8x16384xf32> to vector<1xf32>
    %reduce_sum3A_331 = vector.shape_cast %reduce_sum3A_330 : vector<1xf32> to vector<1x1x1xf32>
    %reduce_sum3A_332 = vector.extract %reduce_sum3A_331[0, 0, 0] : f32 from vector<1x1x1xf32>
    %add3A_333 = arith.addf %add3A_307, %reduce_sum3A_332 : f32
    %mul3A_334 = arith.constant 28 : i32
    %mul3A_335 = arith.muli %mul3A_334, %arg0 : i32
    %add3A_336 = arith.constant 13 : i32
    %add3A_337 = arith.addi %mul3A_335, %add3A_336 : i32
    %mul3A_338 = arith.constant 8 : i32
    %mul3A_339 = arith.muli %add3A_337, %mul3A_338 : i32
    %iota3A_340 = tpu.iota {dimensions = array<i32: 0>} : vector<8x16384xi32>
    %add3A_341 = vector.broadcast %mul3A_339 : i32 to vector<8x16384xi32>
    %add3A_342 = arith.addi %iota3A_340, %add3A_341 : vector<8x16384xi32>
    %convert_element_type3A_343 = arith.sitofp %add3A_342 : vector<8x16384xi32> to vector<8x16384xf32>
    %sub3A_344 = vector.broadcast %get3A_1 : vector<1x16384xf32> to vector<8x16384xf32>
    %sub3A_345 = arith.subf %convert_element_type3A_343, %sub3A_344 : vector<8x16384xf32>
    %abs3A_346 = math.absf %sub3A_345 : vector<8x16384xf32>
    %mul3A_347 = arith.constant 6.10351591E-8 : f32
    %mul3A_348 = vector.broadcast %mul3A_347 : f32 to vector<8x16384xf32>
    %mul3A_349 = arith.mulf %abs3A_346, %mul3A_348 : vector<8x16384xf32>
    %get3A_350 = arith.constant 0 : index
    %get3A_351 = arith.constant 0 : index
    %get3A_352 = vector.load %arg15[%get3A_350, %get3A_351] : memref<8x16384xf32, #tpu.memory_space<vmem>>, vector<8x16384xf32>
    %mul3A_353 = arith.mulf %mul3A_349, %get3A_352 : vector<8x16384xf32>
    %reduce_sum3A_354 = vector.shape_cast %mul3A_353 : vector<8x16384xf32> to vector<1x8x16384xf32>
    %reduce_sum3A_355 = arith.constant dense<0.000000e+00> : vector<1xf32>
    %reduce_sum3A_356 = vector.multi_reduction <add>, %reduce_sum3A_354, %reduce_sum3A_355 [1, 2] : vector<1x8x16384xf32> to vector<1xf32>
    %reduce_sum3A_357 = vector.shape_cast %reduce_sum3A_356 : vector<1xf32> to vector<1x1x1xf32>
    %reduce_sum3A_358 = vector.extract %reduce_sum3A_357[0, 0, 0] : f32 from vector<1x1x1xf32>
    %add3A_359 = arith.addf %add3A_333, %reduce_sum3A_358 : f32
    %mul3A_360 = arith.constant 28 : i32
    %mul3A_361 = arith.muli %mul3A_360, %arg0 : i32
    %add3A_362 = arith.constant 14 : i32
    %add3A_363 = arith.addi %mul3A_361, %add3A_362 : i32
    %mul3A_364 = arith.constant 8 : i32
    %mul3A_365 = arith.muli %add3A_363, %mul3A_364 : i32
    %iota3A_366 = tpu.iota {dimensions = array<i32: 0>} : vector<8x16384xi32>
    %add3A_367 = vector.broadcast %mul3A_365 : i32 to vector<8x16384xi32>
    %add3A_368 = arith.addi %iota3A_366, %add3A_367 : vector<8x16384xi32>
    %convert_element_type3A_369 = arith.sitofp %add3A_368 : vector<8x16384xi32> to vector<8x16384xf32>
    %sub3A_370 = vector.broadcast %get3A_1 : vector<1x16384xf32> to vector<8x16384xf32>
    %sub3A_371 = arith.subf %convert_element_type3A_369, %sub3A_370 : vector<8x16384xf32>
    %abs3A_372 = math.absf %sub3A_371 : vector<8x16384xf32>
    %mul3A_373 = arith.constant 6.10351591E-8 : f32
    %mul3A_374 = vector.broadcast %mul3A_373 : f32 to vector<8x16384xf32>
    %mul3A_375 = arith.mulf %abs3A_372, %mul3A_374 : vector<8x16384xf32>
    %get3A_376 = arith.constant 0 : index
    %get3A_377 = arith.constant 0 : index
    %get3A_378 = vector.load %arg16[%get3A_376, %get3A_377] : memref<8x16384xf32, #tpu.memory_space<vmem>>, vector<8x16384xf32>
    %mul3A_379 = arith.mulf %mul3A_375, %get3A_378 : vector<8x16384xf32>
    %reduce_sum3A_380 = vector.shape_cast %mul3A_379 : vector<8x16384xf32> to vector<1x8x16384xf32>
    %reduce_sum3A_381 = arith.constant dense<0.000000e+00> : vector<1xf32>
    %reduce_sum3A_382 = vector.multi_reduction <add>, %reduce_sum3A_380, %reduce_sum3A_381 [1, 2] : vector<1x8x16384xf32> to vector<1xf32>
    %reduce_sum3A_383 = vector.shape_cast %reduce_sum3A_382 : vector<1xf32> to vector<1x1x1xf32>
    %reduce_sum3A_384 = vector.extract %reduce_sum3A_383[0, 0, 0] : f32 from vector<1x1x1xf32>
    %add3A_385 = arith.addf %add3A_359, %reduce_sum3A_384 : f32
    %mul3A_386 = arith.constant 28 : i32
    %mul3A_387 = arith.muli %mul3A_386, %arg0 : i32
    %add3A_388 = arith.constant 15 : i32
    %add3A_389 = arith.addi %mul3A_387, %add3A_388 : i32
    %mul3A_390 = arith.constant 8 : i32
    %mul3A_391 = arith.muli %add3A_389, %mul3A_390 : i32
    %iota3A_392 = tpu.iota {dimensions = array<i32: 0>} : vector<8x16384xi32>
    %add3A_393 = vector.broadcast %mul3A_391 : i32 to vector<8x16384xi32>
    %add3A_394 = arith.addi %iota3A_392, %add3A_393 : vector<8x16384xi32>
    %convert_element_type3A_395 = arith.sitofp %add3A_394 : vector<8x16384xi32> to vector<8x16384xf32>
    %sub3A_396 = vector.broadcast %get3A_1 : vector<1x16384xf32> to vector<8x16384xf32>
    %sub3A_397 = arith.subf %convert_element_type3A_395, %sub3A_396 : vector<8x16384xf32>
    %abs3A_398 = math.absf %sub3A_397 : vector<8x16384xf32>
    %mul3A_399 = arith.constant 6.10351591E-8 : f32
    %mul3A_400 = vector.broadcast %mul3A_399 : f32 to vector<8x16384xf32>
    %mul3A_401 = arith.mulf %abs3A_398, %mul3A_400 : vector<8x16384xf32>
    %get3A_402 = arith.constant 0 : index
    %get3A_403 = arith.constant 0 : index
    %get3A_404 = vector.load %arg17[%get3A_402, %get3A_403] : memref<8x16384xf32, #tpu.memory_space<vmem>>, vector<8x16384xf32>
    %mul3A_405 = arith.mulf %mul3A_401, %get3A_404 : vector<8x16384xf32>
    %reduce_sum3A_406 = vector.shape_cast %mul3A_405 : vector<8x16384xf32> to vector<1x8x16384xf32>
    %reduce_sum3A_407 = arith.constant dense<0.000000e+00> : vector<1xf32>
    %reduce_sum3A_408 = vector.multi_reduction <add>, %reduce_sum3A_406, %reduce_sum3A_407 [1, 2] : vector<1x8x16384xf32> to vector<1xf32>
    %reduce_sum3A_409 = vector.shape_cast %reduce_sum3A_408 : vector<1xf32> to vector<1x1x1xf32>
    %reduce_sum3A_410 = vector.extract %reduce_sum3A_409[0, 0, 0] : f32 from vector<1x1x1xf32>
    %add3A_411 = arith.addf %add3A_385, %reduce_sum3A_410 : f32
    %mul3A_412 = arith.constant 28 : i32
    %mul3A_413 = arith.muli %mul3A_412, %arg0 : i32
    %add3A_414 = arith.constant 16 : i32
    %add3A_415 = arith.addi %mul3A_413, %add3A_414 : i32
    %mul3A_416 = arith.constant 8 : i32
    %mul3A_417 = arith.muli %add3A_415, %mul3A_416 : i32
    %iota3A_418 = tpu.iota {dimensions = array<i32: 0>} : vector<8x16384xi32>
    %add3A_419 = vector.broadcast %mul3A_417 : i32 to vector<8x16384xi32>
    %add3A_420 = arith.addi %iota3A_418, %add3A_419 : vector<8x16384xi32>
    %convert_element_type3A_421 = arith.sitofp %add3A_420 : vector<8x16384xi32> to vector<8x16384xf32>
    %sub3A_422 = vector.broadcast %get3A_1 : vector<1x16384xf32> to vector<8x16384xf32>
    %sub3A_423 = arith.subf %convert_element_type3A_421, %sub3A_422 : vector<8x16384xf32>
    %abs3A_424 = math.absf %sub3A_423 : vector<8x16384xf32>
    %mul3A_425 = arith.constant 6.10351591E-8 : f32
    %mul3A_426 = vector.broadcast %mul3A_425 : f32 to vector<8x16384xf32>
    %mul3A_427 = arith.mulf %abs3A_424, %mul3A_426 : vector<8x16384xf32>
    %get3A_428 = arith.constant 0 : index
    %get3A_429 = arith.constant 0 : index
    %get3A_430 = vector.load %arg18[%get3A_428, %get3A_429] : memref<8x16384xf32, #tpu.memory_space<vmem>>, vector<8x16384xf32>
    %mul3A_431 = arith.mulf %mul3A_427, %get3A_430 : vector<8x16384xf32>
    %reduce_sum3A_432 = vector.shape_cast %mul3A_431 : vector<8x16384xf32> to vector<1x8x16384xf32>
    %reduce_sum3A_433 = arith.constant dense<0.000000e+00> : vector<1xf32>
    %reduce_sum3A_434 = vector.multi_reduction <add>, %reduce_sum3A_432, %reduce_sum3A_433 [1, 2] : vector<1x8x16384xf32> to vector<1xf32>
    %reduce_sum3A_435 = vector.shape_cast %reduce_sum3A_434 : vector<1xf32> to vector<1x1x1xf32>
    %reduce_sum3A_436 = vector.extract %reduce_sum3A_435[0, 0, 0] : f32 from vector<1x1x1xf32>
    %add3A_437 = arith.addf %add3A_411, %reduce_sum3A_436 : f32
    %mul3A_438 = arith.constant 28 : i32
    %mul3A_439 = arith.muli %mul3A_438, %arg0 : i32
    %add3A_440 = arith.constant 17 : i32
    %add3A_441 = arith.addi %mul3A_439, %add3A_440 : i32
    %mul3A_442 = arith.constant 8 : i32
    %mul3A_443 = arith.muli %add3A_441, %mul3A_442 : i32
    %iota3A_444 = tpu.iota {dimensions = array<i32: 0>} : vector<8x16384xi32>
    %add3A_445 = vector.broadcast %mul3A_443 : i32 to vector<8x16384xi32>
    %add3A_446 = arith.addi %iota3A_444, %add3A_445 : vector<8x16384xi32>
    %convert_element_type3A_447 = arith.sitofp %add3A_446 : vector<8x16384xi32> to vector<8x16384xf32>
    %sub3A_448 = vector.broadcast %get3A_1 : vector<1x16384xf32> to vector<8x16384xf32>
    %sub3A_449 = arith.subf %convert_element_type3A_447, %sub3A_448 : vector<8x16384xf32>
    %abs3A_450 = math.absf %sub3A_449 : vector<8x16384xf32>
    %mul3A_451 = arith.constant 6.10351591E-8 : f32
    %mul3A_452 = vector.broadcast %mul3A_451 : f32 to vector<8x16384xf32>
    %mul3A_453 = arith.mulf %abs3A_450, %mul3A_452 : vector<8x16384xf32>
    %get3A_454 = arith.constant 0 : index
    %get3A_455 = arith.constant 0 : index
    %get3A_456 = vector.load %arg19[%get3A_454, %get3A_455] : memref<8x16384xf32, #tpu.memory_space<vmem>>, vector<8x16384xf32>
    %mul3A_457 = arith.mulf %mul3A_453, %get3A_456 : vector<8x16384xf32>
    %reduce_sum3A_458 = vector.shape_cast %mul3A_457 : vector<8x16384xf32> to vector<1x8x16384xf32>
    %reduce_sum3A_459 = arith.constant dense<0.000000e+00> : vector<1xf32>
    %reduce_sum3A_460 = vector.multi_reduction <add>, %reduce_sum3A_458, %reduce_sum3A_459 [1, 2] : vector<1x8x16384xf32> to vector<1xf32>
    %reduce_sum3A_461 = vector.shape_cast %reduce_sum3A_460 : vector<1xf32> to vector<1x1x1xf32>
    %reduce_sum3A_462 = vector.extract %reduce_sum3A_461[0, 0, 0] : f32 from vector<1x1x1xf32>
    %add3A_463 = arith.addf %add3A_437, %reduce_sum3A_462 : f32
    %mul3A_464 = arith.constant 28 : i32
    %mul3A_465 = arith.muli %mul3A_464, %arg0 : i32
    %add3A_466 = arith.constant 18 : i32
    %add3A_467 = arith.addi %mul3A_465, %add3A_466 : i32
    %mul3A_468 = arith.constant 8 : i32
    %mul3A_469 = arith.muli %add3A_467, %mul3A_468 : i32
    %iota3A_470 = tpu.iota {dimensions = array<i32: 0>} : vector<8x16384xi32>
    %add3A_471 = vector.broadcast %mul3A_469 : i32 to vector<8x16384xi32>
    %add3A_472 = arith.addi %iota3A_470, %add3A_471 : vector<8x16384xi32>
    %convert_element_type3A_473 = arith.sitofp %add3A_472 : vector<8x16384xi32> to vector<8x16384xf32>
    %sub3A_474 = vector.broadcast %get3A_1 : vector<1x16384xf32> to vector<8x16384xf32>
    %sub3A_475 = arith.subf %convert_element_type3A_473, %sub3A_474 : vector<8x16384xf32>
    %abs3A_476 = math.absf %sub3A_475 : vector<8x16384xf32>
    %mul3A_477 = arith.constant 6.10351591E-8 : f32
    %mul3A_478 = vector.broadcast %mul3A_477 : f32 to vector<8x16384xf32>
    %mul3A_479 = arith.mulf %abs3A_476, %mul3A_478 : vector<8x16384xf32>
    %get3A_480 = arith.constant 0 : index
    %get3A_481 = arith.constant 0 : index
    %get3A_482 = vector.load %arg20[%get3A_480, %get3A_481] : memref<8x16384xf32, #tpu.memory_space<vmem>>, vector<8x16384xf32>
    %mul3A_483 = arith.mulf %mul3A_479, %get3A_482 : vector<8x16384xf32>
    %reduce_sum3A_484 = vector.shape_cast %mul3A_483 : vector<8x16384xf32> to vector<1x8x16384xf32>
    %reduce_sum3A_485 = arith.constant dense<0.000000e+00> : vector<1xf32>
    %reduce_sum3A_486 = vector.multi_reduction <add>, %reduce_sum3A_484, %reduce_sum3A_485 [1, 2] : vector<1x8x16384xf32> to vector<1xf32>
    %reduce_sum3A_487 = vector.shape_cast %reduce_sum3A_486 : vector<1xf32> to vector<1x1x1xf32>
    %reduce_sum3A_488 = vector.extract %reduce_sum3A_487[0, 0, 0] : f32 from vector<1x1x1xf32>
    %add3A_489 = arith.addf %add3A_463, %reduce_sum3A_488 : f32
    %mul3A_490 = arith.constant 28 : i32
    %mul3A_491 = arith.muli %mul3A_490, %arg0 : i32
    %add3A_492 = arith.constant 19 : i32
    %add3A_493 = arith.addi %mul3A_491, %add3A_492 : i32
    %mul3A_494 = arith.constant 8 : i32
    %mul3A_495 = arith.muli %add3A_493, %mul3A_494 : i32
    %iota3A_496 = tpu.iota {dimensions = array<i32: 0>} : vector<8x16384xi32>
    %add3A_497 = vector.broadcast %mul3A_495 : i32 to vector<8x16384xi32>
    %add3A_498 = arith.addi %iota3A_496, %add3A_497 : vector<8x16384xi32>
    %convert_element_type3A_499 = arith.sitofp %add3A_498 : vector<8x16384xi32> to vector<8x16384xf32>
    %sub3A_500 = vector.broadcast %get3A_1 : vector<1x16384xf32> to vector<8x16384xf32>
    %sub3A_501 = arith.subf %convert_element_type3A_499, %sub3A_500 : vector<8x16384xf32>
    %abs3A_502 = math.absf %sub3A_501 : vector<8x16384xf32>
    %mul3A_503 = arith.constant 6.10351591E-8 : f32
    %mul3A_504 = vector.broadcast %mul3A_503 : f32 to vector<8x16384xf32>
    %mul3A_505 = arith.mulf %abs3A_502, %mul3A_504 : vector<8x16384xf32>
    %get3A_506 = arith.constant 0 : index
    %get3A_507 = arith.constant 0 : index
    %get3A_508 = vector.load %arg21[%get3A_506, %get3A_507] : memref<8x16384xf32, #tpu.memory_space<vmem>>, vector<8x16384xf32>
    %mul3A_509 = arith.mulf %mul3A_505, %get3A_508 : vector<8x16384xf32>
    %reduce_sum3A_510 = vector.shape_cast %mul3A_509 : vector<8x16384xf32> to vector<1x8x16384xf32>
    %reduce_sum3A_511 = arith.constant dense<0.000000e+00> : vector<1xf32>
    %reduce_sum3A_512 = vector.multi_reduction <add>, %reduce_sum3A_510, %reduce_sum3A_511 [1, 2] : vector<1x8x16384xf32> to vector<1xf32>
    %reduce_sum3A_513 = vector.shape_cast %reduce_sum3A_512 : vector<1xf32> to vector<1x1x1xf32>
    %reduce_sum3A_514 = vector.extract %reduce_sum3A_513[0, 0, 0] : f32 from vector<1x1x1xf32>
    %add3A_515 = arith.addf %add3A_489, %reduce_sum3A_514 : f32
    %mul3A_516 = arith.constant 28 : i32
    %mul3A_517 = arith.muli %mul3A_516, %arg0 : i32
    %add3A_518 = arith.constant 20 : i32
    %add3A_519 = arith.addi %mul3A_517, %add3A_518 : i32
    %mul3A_520 = arith.constant 8 : i32
    %mul3A_521 = arith.muli %add3A_519, %mul3A_520 : i32
    %iota3A_522 = tpu.iota {dimensions = array<i32: 0>} : vector<8x16384xi32>
    %add3A_523 = vector.broadcast %mul3A_521 : i32 to vector<8x16384xi32>
    %add3A_524 = arith.addi %iota3A_522, %add3A_523 : vector<8x16384xi32>
    %convert_element_type3A_525 = arith.sitofp %add3A_524 : vector<8x16384xi32> to vector<8x16384xf32>
    %sub3A_526 = vector.broadcast %get3A_1 : vector<1x16384xf32> to vector<8x16384xf32>
    %sub3A_527 = arith.subf %convert_element_type3A_525, %sub3A_526 : vector<8x16384xf32>
    %abs3A_528 = math.absf %sub3A_527 : vector<8x16384xf32>
    %mul3A_529 = arith.constant 6.10351591E-8 : f32
    %mul3A_530 = vector.broadcast %mul3A_529 : f32 to vector<8x16384xf32>
    %mul3A_531 = arith.mulf %abs3A_528, %mul3A_530 : vector<8x16384xf32>
    %get3A_532 = arith.constant 0 : index
    %get3A_533 = arith.constant 0 : index
    %get3A_534 = vector.load %arg22[%get3A_532, %get3A_533] : memref<8x16384xf32, #tpu.memory_space<vmem>>, vector<8x16384xf32>
    %mul3A_535 = arith.mulf %mul3A_531, %get3A_534 : vector<8x16384xf32>
    %reduce_sum3A_536 = vector.shape_cast %mul3A_535 : vector<8x16384xf32> to vector<1x8x16384xf32>
    %reduce_sum3A_537 = arith.constant dense<0.000000e+00> : vector<1xf32>
    %reduce_sum3A_538 = vector.multi_reduction <add>, %reduce_sum3A_536, %reduce_sum3A_537 [1, 2] : vector<1x8x16384xf32> to vector<1xf32>
    %reduce_sum3A_539 = vector.shape_cast %reduce_sum3A_538 : vector<1xf32> to vector<1x1x1xf32>
    %reduce_sum3A_540 = vector.extract %reduce_sum3A_539[0, 0, 0] : f32 from vector<1x1x1xf32>
    %add3A_541 = arith.addf %add3A_515, %reduce_sum3A_540 : f32
    %mul3A_542 = arith.constant 28 : i32
    %mul3A_543 = arith.muli %mul3A_542, %arg0 : i32
    %add3A_544 = arith.constant 21 : i32
    %add3A_545 = arith.addi %mul3A_543, %add3A_544 : i32
    %mul3A_546 = arith.constant 8 : i32
    %mul3A_547 = arith.muli %add3A_545, %mul3A_546 : i32
    %iota3A_548 = tpu.iota {dimensions = array<i32: 0>} : vector<8x16384xi32>
    %add3A_549 = vector.broadcast %mul3A_547 : i32 to vector<8x16384xi32>
    %add3A_550 = arith.addi %iota3A_548, %add3A_549 : vector<8x16384xi32>
    %convert_element_type3A_551 = arith.sitofp %add3A_550 : vector<8x16384xi32> to vector<8x16384xf32>
    %sub3A_552 = vector.broadcast %get3A_1 : vector<1x16384xf32> to vector<8x16384xf32>
    %sub3A_553 = arith.subf %convert_element_type3A_551, %sub3A_552 : vector<8x16384xf32>
    %abs3A_554 = math.absf %sub3A_553 : vector<8x16384xf32>
    %mul3A_555 = arith.constant 6.10351591E-8 : f32
    %mul3A_556 = vector.broadcast %mul3A_555 : f32 to vector<8x16384xf32>
    %mul3A_557 = arith.mulf %abs3A_554, %mul3A_556 : vector<8x16384xf32>
    %get3A_558 = arith.constant 0 : index
    %get3A_559 = arith.constant 0 : index
    %get3A_560 = vector.load %arg23[%get3A_558, %get3A_559] : memref<8x16384xf32, #tpu.memory_space<vmem>>, vector<8x16384xf32>
    %mul3A_561 = arith.mulf %mul3A_557, %get3A_560 : vector<8x16384xf32>
    %reduce_sum3A_562 = vector.shape_cast %mul3A_561 : vector<8x16384xf32> to vector<1x8x16384xf32>
    %reduce_sum3A_563 = arith.constant dense<0.000000e+00> : vector<1xf32>
    %reduce_sum3A_564 = vector.multi_reduction <add>, %reduce_sum3A_562, %reduce_sum3A_563 [1, 2] : vector<1x8x16384xf32> to vector<1xf32>
    %reduce_sum3A_565 = vector.shape_cast %reduce_sum3A_564 : vector<1xf32> to vector<1x1x1xf32>
    %reduce_sum3A_566 = vector.extract %reduce_sum3A_565[0, 0, 0] : f32 from vector<1x1x1xf32>
    %add3A_567 = arith.addf %add3A_541, %reduce_sum3A_566 : f32
    %mul3A_568 = arith.constant 28 : i32
    %mul3A_569 = arith.muli %mul3A_568, %arg0 : i32
    %add3A_570 = arith.constant 22 : i32
    %add3A_571 = arith.addi %mul3A_569, %add3A_570 : i32
    %mul3A_572 = arith.constant 8 : i32
    %mul3A_573 = arith.muli %add3A_571, %mul3A_572 : i32
    %iota3A_574 = tpu.iota {dimensions = array<i32: 0>} : vector<8x16384xi32>
    %add3A_575 = vector.broadcast %mul3A_573 : i32 to vector<8x16384xi32>
    %add3A_576 = arith.addi %iota3A_574, %add3A_575 : vector<8x16384xi32>
    %convert_element_type3A_577 = arith.sitofp %add3A_576 : vector<8x16384xi32> to vector<8x16384xf32>
    %sub3A_578 = vector.broadcast %get3A_1 : vector<1x16384xf32> to vector<8x16384xf32>
    %sub3A_579 = arith.subf %convert_element_type3A_577, %sub3A_578 : vector<8x16384xf32>
    %abs3A_580 = math.absf %sub3A_579 : vector<8x16384xf32>
    %mul3A_581 = arith.constant 6.10351591E-8 : f32
    %mul3A_582 = vector.broadcast %mul3A_581 : f32 to vector<8x16384xf32>
    %mul3A_583 = arith.mulf %abs3A_580, %mul3A_582 : vector<8x16384xf32>
    %get3A_584 = arith.constant 0 : index
    %get3A_585 = arith.constant 0 : index
    %get3A_586 = vector.load %arg24[%get3A_584, %get3A_585] : memref<8x16384xf32, #tpu.memory_space<vmem>>, vector<8x16384xf32>
    %mul3A_587 = arith.mulf %mul3A_583, %get3A_586 : vector<8x16384xf32>
    %reduce_sum3A_588 = vector.shape_cast %mul3A_587 : vector<8x16384xf32> to vector<1x8x16384xf32>
    %reduce_sum3A_589 = arith.constant dense<0.000000e+00> : vector<1xf32>
    %reduce_sum3A_590 = vector.multi_reduction <add>, %reduce_sum3A_588, %reduce_sum3A_589 [1, 2] : vector<1x8x16384xf32> to vector<1xf32>
    %reduce_sum3A_591 = vector.shape_cast %reduce_sum3A_590 : vector<1xf32> to vector<1x1x1xf32>
    %reduce_sum3A_592 = vector.extract %reduce_sum3A_591[0, 0, 0] : f32 from vector<1x1x1xf32>
    %add3A_593 = arith.addf %add3A_567, %reduce_sum3A_592 : f32
    %mul3A_594 = arith.constant 28 : i32
    %mul3A_595 = arith.muli %mul3A_594, %arg0 : i32
    %add3A_596 = arith.constant 23 : i32
    %add3A_597 = arith.addi %mul3A_595, %add3A_596 : i32
    %mul3A_598 = arith.constant 8 : i32
    %mul3A_599 = arith.muli %add3A_597, %mul3A_598 : i32
    %iota3A_600 = tpu.iota {dimensions = array<i32: 0>} : vector<8x16384xi32>
    %add3A_601 = vector.broadcast %mul3A_599 : i32 to vector<8x16384xi32>
    %add3A_602 = arith.addi %iota3A_600, %add3A_601 : vector<8x16384xi32>
    %convert_element_type3A_603 = arith.sitofp %add3A_602 : vector<8x16384xi32> to vector<8x16384xf32>
    %sub3A_604 = vector.broadcast %get3A_1 : vector<1x16384xf32> to vector<8x16384xf32>
    %sub3A_605 = arith.subf %convert_element_type3A_603, %sub3A_604 : vector<8x16384xf32>
    %abs3A_606 = math.absf %sub3A_605 : vector<8x16384xf32>
    %mul3A_607 = arith.constant 6.10351591E-8 : f32
    %mul3A_608 = vector.broadcast %mul3A_607 : f32 to vector<8x16384xf32>
    %mul3A_609 = arith.mulf %abs3A_606, %mul3A_608 : vector<8x16384xf32>
    %get3A_610 = arith.constant 0 : index
    %get3A_611 = arith.constant 0 : index
    %get3A_612 = vector.load %arg25[%get3A_610, %get3A_611] : memref<8x16384xf32, #tpu.memory_space<vmem>>, vector<8x16384xf32>
    %mul3A_613 = arith.mulf %mul3A_609, %get3A_612 : vector<8x16384xf32>
    %reduce_sum3A_614 = vector.shape_cast %mul3A_613 : vector<8x16384xf32> to vector<1x8x16384xf32>
    %reduce_sum3A_615 = arith.constant dense<0.000000e+00> : vector<1xf32>
    %reduce_sum3A_616 = vector.multi_reduction <add>, %reduce_sum3A_614, %reduce_sum3A_615 [1, 2] : vector<1x8x16384xf32> to vector<1xf32>
    %reduce_sum3A_617 = vector.shape_cast %reduce_sum3A_616 : vector<1xf32> to vector<1x1x1xf32>
    %reduce_sum3A_618 = vector.extract %reduce_sum3A_617[0, 0, 0] : f32 from vector<1x1x1xf32>
    %add3A_619 = arith.addf %add3A_593, %reduce_sum3A_618 : f32
    %mul3A_620 = arith.constant 28 : i32
    %mul3A_621 = arith.muli %mul3A_620, %arg0 : i32
    %add3A_622 = arith.constant 24 : i32
    %add3A_623 = arith.addi %mul3A_621, %add3A_622 : i32
    %mul3A_624 = arith.constant 8 : i32
    %mul3A_625 = arith.muli %add3A_623, %mul3A_624 : i32
    %iota3A_626 = tpu.iota {dimensions = array<i32: 0>} : vector<8x16384xi32>
    %add3A_627 = vector.broadcast %mul3A_625 : i32 to vector<8x16384xi32>
    %add3A_628 = arith.addi %iota3A_626, %add3A_627 : vector<8x16384xi32>
    %convert_element_type3A_629 = arith.sitofp %add3A_628 : vector<8x16384xi32> to vector<8x16384xf32>
    %sub3A_630 = vector.broadcast %get3A_1 : vector<1x16384xf32> to vector<8x16384xf32>
    %sub3A_631 = arith.subf %convert_element_type3A_629, %sub3A_630 : vector<8x16384xf32>
    %abs3A_632 = math.absf %sub3A_631 : vector<8x16384xf32>
    %mul3A_633 = arith.constant 6.10351591E-8 : f32
    %mul3A_634 = vector.broadcast %mul3A_633 : f32 to vector<8x16384xf32>
    %mul3A_635 = arith.mulf %abs3A_632, %mul3A_634 : vector<8x16384xf32>
    %get3A_636 = arith.constant 0 : index
    %get3A_637 = arith.constant 0 : index
    %get3A_638 = vector.load %arg26[%get3A_636, %get3A_637] : memref<8x16384xf32, #tpu.memory_space<vmem>>, vector<8x16384xf32>
    %mul3A_639 = arith.mulf %mul3A_635, %get3A_638 : vector<8x16384xf32>
    %reduce_sum3A_640 = vector.shape_cast %mul3A_639 : vector<8x16384xf32> to vector<1x8x16384xf32>
    %reduce_sum3A_641 = arith.constant dense<0.000000e+00> : vector<1xf32>
    %reduce_sum3A_642 = vector.multi_reduction <add>, %reduce_sum3A_640, %reduce_sum3A_641 [1, 2] : vector<1x8x16384xf32> to vector<1xf32>
    %reduce_sum3A_643 = vector.shape_cast %reduce_sum3A_642 : vector<1xf32> to vector<1x1x1xf32>
    %reduce_sum3A_644 = vector.extract %reduce_sum3A_643[0, 0, 0] : f32 from vector<1x1x1xf32>
    %add3A_645 = arith.addf %add3A_619, %reduce_sum3A_644 : f32
    %mul3A_646 = arith.constant 28 : i32
    %mul3A_647 = arith.muli %mul3A_646, %arg0 : i32
    %add3A_648 = arith.constant 25 : i32
    %add3A_649 = arith.addi %mul3A_647, %add3A_648 : i32
    %mul3A_650 = arith.constant 8 : i32
    %mul3A_651 = arith.muli %add3A_649, %mul3A_650 : i32
    %iota3A_652 = tpu.iota {dimensions = array<i32: 0>} : vector<8x16384xi32>
    %add3A_653 = vector.broadcast %mul3A_651 : i32 to vector<8x16384xi32>
    %add3A_654 = arith.addi %iota3A_652, %add3A_653 : vector<8x16384xi32>
    %convert_element_type3A_655 = arith.sitofp %add3A_654 : vector<8x16384xi32> to vector<8x16384xf32>
    %sub3A_656 = vector.broadcast %get3A_1 : vector<1x16384xf32> to vector<8x16384xf32>
    %sub3A_657 = arith.subf %convert_element_type3A_655, %sub3A_656 : vector<8x16384xf32>
    %abs3A_658 = math.absf %sub3A_657 : vector<8x16384xf32>
    %mul3A_659 = arith.constant 6.10351591E-8 : f32
    %mul3A_660 = vector.broadcast %mul3A_659 : f32 to vector<8x16384xf32>
    %mul3A_661 = arith.mulf %abs3A_658, %mul3A_660 : vector<8x16384xf32>
    %get3A_662 = arith.constant 0 : index
    %get3A_663 = arith.constant 0 : index
    %get3A_664 = vector.load %arg27[%get3A_662, %get3A_663] : memref<8x16384xf32, #tpu.memory_space<vmem>>, vector<8x16384xf32>
    %mul3A_665 = arith.mulf %mul3A_661, %get3A_664 : vector<8x16384xf32>
    %reduce_sum3A_666 = vector.shape_cast %mul3A_665 : vector<8x16384xf32> to vector<1x8x16384xf32>
    %reduce_sum3A_667 = arith.constant dense<0.000000e+00> : vector<1xf32>
    %reduce_sum3A_668 = vector.multi_reduction <add>, %reduce_sum3A_666, %reduce_sum3A_667 [1, 2] : vector<1x8x16384xf32> to vector<1xf32>
    %reduce_sum3A_669 = vector.shape_cast %reduce_sum3A_668 : vector<1xf32> to vector<1x1x1xf32>
    %reduce_sum3A_670 = vector.extract %reduce_sum3A_669[0, 0, 0] : f32 from vector<1x1x1xf32>
    %add3A_671 = arith.addf %add3A_645, %reduce_sum3A_670 : f32
    %mul3A_672 = arith.constant 28 : i32
    %mul3A_673 = arith.muli %mul3A_672, %arg0 : i32
    %add3A_674 = arith.constant 26 : i32
    %add3A_675 = arith.addi %mul3A_673, %add3A_674 : i32
    %mul3A_676 = arith.constant 8 : i32
    %mul3A_677 = arith.muli %add3A_675, %mul3A_676 : i32
    %iota3A_678 = tpu.iota {dimensions = array<i32: 0>} : vector<8x16384xi32>
    %add3A_679 = vector.broadcast %mul3A_677 : i32 to vector<8x16384xi32>
    %add3A_680 = arith.addi %iota3A_678, %add3A_679 : vector<8x16384xi32>
    %convert_element_type3A_681 = arith.sitofp %add3A_680 : vector<8x16384xi32> to vector<8x16384xf32>
    %sub3A_682 = vector.broadcast %get3A_1 : vector<1x16384xf32> to vector<8x16384xf32>
    %sub3A_683 = arith.subf %convert_element_type3A_681, %sub3A_682 : vector<8x16384xf32>
    %abs3A_684 = math.absf %sub3A_683 : vector<8x16384xf32>
    %mul3A_685 = arith.constant 6.10351591E-8 : f32
    %mul3A_686 = vector.broadcast %mul3A_685 : f32 to vector<8x16384xf32>
    %mul3A_687 = arith.mulf %abs3A_684, %mul3A_686 : vector<8x16384xf32>
    %get3A_688 = arith.constant 0 : index
    %get3A_689 = arith.constant 0 : index
    %get3A_690 = vector.load %arg28[%get3A_688, %get3A_689] : memref<8x16384xf32, #tpu.memory_space<vmem>>, vector<8x16384xf32>
    %mul3A_691 = arith.mulf %mul3A_687, %get3A_690 : vector<8x16384xf32>
    %reduce_sum3A_692 = vector.shape_cast %mul3A_691 : vector<8x16384xf32> to vector<1x8x16384xf32>
    %reduce_sum3A_693 = arith.constant dense<0.000000e+00> : vector<1xf32>
    %reduce_sum3A_694 = vector.multi_reduction <add>, %reduce_sum3A_692, %reduce_sum3A_693 [1, 2] : vector<1x8x16384xf32> to vector<1xf32>
    %reduce_sum3A_695 = vector.shape_cast %reduce_sum3A_694 : vector<1xf32> to vector<1x1x1xf32>
    %reduce_sum3A_696 = vector.extract %reduce_sum3A_695[0, 0, 0] : f32 from vector<1x1x1xf32>
    %add3A_697 = arith.addf %add3A_671, %reduce_sum3A_696 : f32
    %mul3A_698 = arith.constant 28 : i32
    %mul3A_699 = arith.muli %mul3A_698, %arg0 : i32
    %add3A_700 = arith.constant 27 : i32
    %add3A_701 = arith.addi %mul3A_699, %add3A_700 : i32
    %mul3A_702 = arith.constant 8 : i32
    %mul3A_703 = arith.muli %add3A_701, %mul3A_702 : i32
    %iota3A_704 = tpu.iota {dimensions = array<i32: 0>} : vector<8x16384xi32>
    %add3A_705 = vector.broadcast %mul3A_703 : i32 to vector<8x16384xi32>
    %add3A_706 = arith.addi %iota3A_704, %add3A_705 : vector<8x16384xi32>
    %convert_element_type3A_707 = arith.sitofp %add3A_706 : vector<8x16384xi32> to vector<8x16384xf32>
    %sub3A_708 = vector.broadcast %get3A_1 : vector<1x16384xf32> to vector<8x16384xf32>
    %sub3A_709 = arith.subf %convert_element_type3A_707, %sub3A_708 : vector<8x16384xf32>
    %abs3A_710 = math.absf %sub3A_709 : vector<8x16384xf32>
    %mul3A_711 = arith.constant 6.10351591E-8 : f32
    %mul3A_712 = vector.broadcast %mul3A_711 : f32 to vector<8x16384xf32>
    %mul3A_713 = arith.mulf %abs3A_710, %mul3A_712 : vector<8x16384xf32>
    %get3A_714 = arith.constant 0 : index
    %get3A_715 = arith.constant 0 : index
    %get3A_716 = vector.load %arg29[%get3A_714, %get3A_715] : memref<8x16384xf32, #tpu.memory_space<vmem>>, vector<8x16384xf32>
    %mul3A_717 = arith.mulf %mul3A_713, %get3A_716 : vector<8x16384xf32>
    %reduce_sum3A_718 = vector.shape_cast %mul3A_717 : vector<8x16384xf32> to vector<1x8x16384xf32>
    %reduce_sum3A_719 = arith.constant dense<0.000000e+00> : vector<1xf32>
    %reduce_sum3A_720 = vector.multi_reduction <add>, %reduce_sum3A_718, %reduce_sum3A_719 [1, 2] : vector<1x8x16384xf32> to vector<1xf32>
    %reduce_sum3A_721 = vector.shape_cast %reduce_sum3A_720 : vector<1xf32> to vector<1x1x1xf32>
    %reduce_sum3A_722 = vector.extract %reduce_sum3A_721[0, 0, 0] : f32 from vector<1x1x1xf32>
    %add3A_723 = arith.addf %add3A_697, %reduce_sum3A_722 : f32
    %eq3A = arith.constant 0 : i32
    %eq3A_724 = arith.cmpi eq, %arg0, %eq3A : i32
    %convert_element_type3A_725 = arith.extui %eq3A_724 : i1 to i32
    %cond3A = arith.constant 0 : i32
    %cond3A_726 = arith.cmpi ne, %convert_element_type3A_725, %cond3A : i32
    scf.if %cond3A_726 {
      %swap3A_733 = arith.constant 0.000000e+00 : f32
      %swap3A_734 = arith.constant 0 : index
      %swap3A_735 = arith.constant 0 : index
      %swap3A_736 = memref.load %arg30[%swap3A_734, %swap3A_735] : memref<1x1xf32, #tpu.memory_space<smem>>
      memref.store %swap3A_733, %arg30[%swap3A_734, %swap3A_735] : memref<1x1xf32, #tpu.memory_space<smem>>
    } else {
    }
    %get3A_727 = arith.constant 0 : index
    %get3A_728 = arith.constant 0 : index
    %get3A_729 = memref.load %arg30[%get3A_727, %get3A_728] : memref<1x1xf32, #tpu.memory_space<smem>>
    %add3A_730 = arith.addf %get3A_729, %add3A_723 : f32
    %swap3A = arith.constant 0 : index
    %swap3A_731 = arith.constant 0 : index
    %swap3A_732 = memref.load %arg30[%swap3A, %swap3A_731] : memref<1x1xf32, #tpu.memory_space<smem>>
    memref.store %add3A_730, %arg30[%swap3A, %swap3A_731] : memref<1x1xf32, #tpu.memory_space<smem>>
    return
  }
  func.func @transform_0(%arg0: i32) -> (i32, i32) {
    %c0_i32 = arith.constant 0 : i32
    %c0_i32_0 = arith.constant 0 : i32
    %c0_i32_1 = arith.constant 0 : i32
    return %c0_i32, %c0_i32_0 : i32, i32
  }
  func.func @transform_1(%arg0: i32) -> (i32, i32) {
    %mul3A = arith.constant 28 : i32
    %mul3A_0 = arith.muli %mul3A, %arg0 : i32
    %add3A = arith.constant 0 : i32
    %add3A_1 = arith.addi %mul3A_0, %add3A : i32
    %c0_i32 = arith.constant 0 : i32
    %c0_i32_2 = arith.constant 0 : i32
    return %add3A_1, %c0_i32 : i32, i32
  }
  func.func @transform_2(%arg0: i32) -> (i32, i32) {
    %mul3A = arith.constant 28 : i32
    %mul3A_0 = arith.muli %mul3A, %arg0 : i32
    %add3A = arith.constant 1 : i32
    %add3A_1 = arith.addi %mul3A_0, %add3A : i32
    %c0_i32 = arith.constant 0 : i32
    %c0_i32_2 = arith.constant 0 : i32
    return %add3A_1, %c0_i32 : i32, i32
  }
  func.func @transform_3(%arg0: i32) -> (i32, i32) {
    %mul3A = arith.constant 28 : i32
    %mul3A_0 = arith.muli %mul3A, %arg0 : i32
    %add3A = arith.constant 2 : i32
    %add3A_1 = arith.addi %mul3A_0, %add3A : i32
    %c0_i32 = arith.constant 0 : i32
    %c0_i32_2 = arith.constant 0 : i32
    return %add3A_1, %c0_i32 : i32, i32
  }
  func.func @transform_4(%arg0: i32) -> (i32, i32) {
    %mul3A = arith.constant 28 : i32
    %mul3A_0 = arith.muli %mul3A, %arg0 : i32
    %add3A = arith.constant 3 : i32
    %add3A_1 = arith.addi %mul3A_0, %add3A : i32
    %c0_i32 = arith.constant 0 : i32
    %c0_i32_2 = arith.constant 0 : i32
    return %add3A_1, %c0_i32 : i32, i32
  }
  func.func @transform_5(%arg0: i32) -> (i32, i32) {
    %mul3A = arith.constant 28 : i32
    %mul3A_0 = arith.muli %mul3A, %arg0 : i32
    %add3A = arith.constant 4 : i32
    %add3A_1 = arith.addi %mul3A_0, %add3A : i32
    %c0_i32 = arith.constant 0 : i32
    %c0_i32_2 = arith.constant 0 : i32
    return %add3A_1, %c0_i32 : i32, i32
  }
  func.func @transform_6(%arg0: i32) -> (i32, i32) {
    %mul3A = arith.constant 28 : i32
    %mul3A_0 = arith.muli %mul3A, %arg0 : i32
    %add3A = arith.constant 5 : i32
    %add3A_1 = arith.addi %mul3A_0, %add3A : i32
    %c0_i32 = arith.constant 0 : i32
    %c0_i32_2 = arith.constant 0 : i32
    return %add3A_1, %c0_i32 : i32, i32
  }
  func.func @transform_7(%arg0: i32) -> (i32, i32) {
    %mul3A = arith.constant 28 : i32
    %mul3A_0 = arith.muli %mul3A, %arg0 : i32
    %add3A = arith.constant 6 : i32
    %add3A_1 = arith.addi %mul3A_0, %add3A : i32
    %c0_i32 = arith.constant 0 : i32
    %c0_i32_2 = arith.constant 0 : i32
    return %add3A_1, %c0_i32 : i32, i32
  }
  func.func @transform_8(%arg0: i32) -> (i32, i32) {
    %mul3A = arith.constant 28 : i32
    %mul3A_0 = arith.muli %mul3A, %arg0 : i32
    %add3A = arith.constant 7 : i32
    %add3A_1 = arith.addi %mul3A_0, %add3A : i32
    %c0_i32 = arith.constant 0 : i32
    %c0_i32_2 = arith.constant 0 : i32
    return %add3A_1, %c0_i32 : i32, i32
  }
  func.func @transform_9(%arg0: i32) -> (i32, i32) {
    %mul3A = arith.constant 28 : i32
    %mul3A_0 = arith.muli %mul3A, %arg0 : i32
    %add3A = arith.constant 8 : i32
    %add3A_1 = arith.addi %mul3A_0, %add3A : i32
    %c0_i32 = arith.constant 0 : i32
    %c0_i32_2 = arith.constant 0 : i32
    return %add3A_1, %c0_i32 : i32, i32
  }
  func.func @transform_10(%arg0: i32) -> (i32, i32) {
    %mul3A = arith.constant 28 : i32
    %mul3A_0 = arith.muli %mul3A, %arg0 : i32
    %add3A = arith.constant 9 : i32
    %add3A_1 = arith.addi %mul3A_0, %add3A : i32
    %c0_i32 = arith.constant 0 : i32
    %c0_i32_2 = arith.constant 0 : i32
    return %add3A_1, %c0_i32 : i32, i32
  }
  func.func @transform_11(%arg0: i32) -> (i32, i32) {
    %mul3A = arith.constant 28 : i32
    %mul3A_0 = arith.muli %mul3A, %arg0 : i32
    %add3A = arith.constant 10 : i32
    %add3A_1 = arith.addi %mul3A_0, %add3A : i32
    %c0_i32 = arith.constant 0 : i32
    %c0_i32_2 = arith.constant 0 : i32
    return %add3A_1, %c0_i32 : i32, i32
  }
  func.func @transform_12(%arg0: i32) -> (i32, i32) {
    %mul3A = arith.constant 28 : i32
    %mul3A_0 = arith.muli %mul3A, %arg0 : i32
    %add3A = arith.constant 11 : i32
    %add3A_1 = arith.addi %mul3A_0, %add3A : i32
    %c0_i32 = arith.constant 0 : i32
    %c0_i32_2 = arith.constant 0 : i32
    return %add3A_1, %c0_i32 : i32, i32
  }
  func.func @transform_13(%arg0: i32) -> (i32, i32) {
    %mul3A = arith.constant 28 : i32
    %mul3A_0 = arith.muli %mul3A, %arg0 : i32
    %add3A = arith.constant 12 : i32
    %add3A_1 = arith.addi %mul3A_0, %add3A : i32
    %c0_i32 = arith.constant 0 : i32
    %c0_i32_2 = arith.constant 0 : i32
    return %add3A_1, %c0_i32 : i32, i32
  }
  func.func @transform_14(%arg0: i32) -> (i32, i32) {
    %mul3A = arith.constant 28 : i32
    %mul3A_0 = arith.muli %mul3A, %arg0 : i32
    %add3A = arith.constant 13 : i32
    %add3A_1 = arith.addi %mul3A_0, %add3A : i32
    %c0_i32 = arith.constant 0 : i32
    %c0_i32_2 = arith.constant 0 : i32
    return %add3A_1, %c0_i32 : i32, i32
  }
  func.func @transform_15(%arg0: i32) -> (i32, i32) {
    %mul3A = arith.constant 28 : i32
    %mul3A_0 = arith.muli %mul3A, %arg0 : i32
    %add3A = arith.constant 14 : i32
    %add3A_1 = arith.addi %mul3A_0, %add3A : i32
    %c0_i32 = arith.constant 0 : i32
    %c0_i32_2 = arith.constant 0 : i32
    return %add3A_1, %c0_i32 : i32, i32
  }
  func.func @transform_16(%arg0: i32) -> (i32, i32) {
    %mul3A = arith.constant 28 : i32
    %mul3A_0 = arith.muli %mul3A, %arg0 : i32
    %add3A = arith.constant 15 : i32
    %add3A_1 = arith.addi %mul3A_0, %add3A : i32
    %c0_i32 = arith.constant 0 : i32
    %c0_i32_2 = arith.constant 0 : i32
    return %add3A_1, %c0_i32 : i32, i32
  }
  func.func @transform_17(%arg0: i32) -> (i32, i32) {
    %mul3A = arith.constant 28 : i32
    %mul3A_0 = arith.muli %mul3A, %arg0 : i32
    %add3A = arith.constant 16 : i32
    %add3A_1 = arith.addi %mul3A_0, %add3A : i32
    %c0_i32 = arith.constant 0 : i32
    %c0_i32_2 = arith.constant 0 : i32
    return %add3A_1, %c0_i32 : i32, i32
  }
  func.func @transform_18(%arg0: i32) -> (i32, i32) {
    %mul3A = arith.constant 28 : i32
    %mul3A_0 = arith.muli %mul3A, %arg0 : i32
    %add3A = arith.constant 17 : i32
    %add3A_1 = arith.addi %mul3A_0, %add3A : i32
    %c0_i32 = arith.constant 0 : i32
    %c0_i32_2 = arith.constant 0 : i32
    return %add3A_1, %c0_i32 : i32, i32
  }
  func.func @transform_19(%arg0: i32) -> (i32, i32) {
    %mul3A = arith.constant 28 : i32
    %mul3A_0 = arith.muli %mul3A, %arg0 : i32
    %add3A = arith.constant 18 : i32
    %add3A_1 = arith.addi %mul3A_0, %add3A : i32
    %c0_i32 = arith.constant 0 : i32
    %c0_i32_2 = arith.constant 0 : i32
    return %add3A_1, %c0_i32 : i32, i32
  }
  func.func @transform_20(%arg0: i32) -> (i32, i32) {
    %mul3A = arith.constant 28 : i32
    %mul3A_0 = arith.muli %mul3A, %arg0 : i32
    %add3A = arith.constant 19 : i32
    %add3A_1 = arith.addi %mul3A_0, %add3A : i32
    %c0_i32 = arith.constant 0 : i32
    %c0_i32_2 = arith.constant 0 : i32
    return %add3A_1, %c0_i32 : i32, i32
  }
  func.func @transform_21(%arg0: i32) -> (i32, i32) {
    %mul3A = arith.constant 28 : i32
    %mul3A_0 = arith.muli %mul3A, %arg0 : i32
    %add3A = arith.constant 20 : i32
    %add3A_1 = arith.addi %mul3A_0, %add3A : i32
    %c0_i32 = arith.constant 0 : i32
    %c0_i32_2 = arith.constant 0 : i32
    return %add3A_1, %c0_i32 : i32, i32
  }
  func.func @transform_22(%arg0: i32) -> (i32, i32) {
    %mul3A = arith.constant 28 : i32
    %mul3A_0 = arith.muli %mul3A, %arg0 : i32
    %add3A = arith.constant 21 : i32
    %add3A_1 = arith.addi %mul3A_0, %add3A : i32
    %c0_i32 = arith.constant 0 : i32
    %c0_i32_2 = arith.constant 0 : i32
    return %add3A_1, %c0_i32 : i32, i32
  }
  func.func @transform_23(%arg0: i32) -> (i32, i32) {
    %mul3A = arith.constant 28 : i32
    %mul3A_0 = arith.muli %mul3A, %arg0 : i32
    %add3A = arith.constant 22 : i32
    %add3A_1 = arith.addi %mul3A_0, %add3A : i32
    %c0_i32 = arith.constant 0 : i32
    %c0_i32_2 = arith.constant 0 : i32
    return %add3A_1, %c0_i32 : i32, i32
  }
  func.func @transform_24(%arg0: i32) -> (i32, i32) {
    %mul3A = arith.constant 28 : i32
    %mul3A_0 = arith.muli %mul3A, %arg0 : i32
    %add3A = arith.constant 23 : i32
    %add3A_1 = arith.addi %mul3A_0, %add3A : i32
    %c0_i32 = arith.constant 0 : i32
    %c0_i32_2 = arith.constant 0 : i32
    return %add3A_1, %c0_i32 : i32, i32
  }
  func.func @transform_25(%arg0: i32) -> (i32, i32) {
    %mul3A = arith.constant 28 : i32
    %mul3A_0 = arith.muli %mul3A, %arg0 : i32
    %add3A = arith.constant 24 : i32
    %add3A_1 = arith.addi %mul3A_0, %add3A : i32
    %c0_i32 = arith.constant 0 : i32
    %c0_i32_2 = arith.constant 0 : i32
    return %add3A_1, %c0_i32 : i32, i32
  }
  func.func @transform_26(%arg0: i32) -> (i32, i32) {
    %mul3A = arith.constant 28 : i32
    %mul3A_0 = arith.muli %mul3A, %arg0 : i32
    %add3A = arith.constant 25 : i32
    %add3A_1 = arith.addi %mul3A_0, %add3A : i32
    %c0_i32 = arith.constant 0 : i32
    %c0_i32_2 = arith.constant 0 : i32
    return %add3A_1, %c0_i32 : i32, i32
  }
  func.func @transform_27(%arg0: i32) -> (i32, i32) {
    %mul3A = arith.constant 28 : i32
    %mul3A_0 = arith.muli %mul3A, %arg0 : i32
    %add3A = arith.constant 26 : i32
    %add3A_1 = arith.addi %mul3A_0, %add3A : i32
    %c0_i32 = arith.constant 0 : i32
    %c0_i32_2 = arith.constant 0 : i32
    return %add3A_1, %c0_i32 : i32, i32
  }
  func.func @transform_28(%arg0: i32) -> (i32, i32) {
    %mul3A = arith.constant 28 : i32
    %mul3A_0 = arith.muli %mul3A, %arg0 : i32
    %add3A = arith.constant 27 : i32
    %add3A_1 = arith.addi %mul3A_0, %add3A : i32
    %c0_i32 = arith.constant 0 : i32
    %c0_i32_2 = arith.constant 0 : i32
    return %add3A_1, %c0_i32 : i32, i32
  }
  func.func @transform_29(%arg0: i32) -> (i32, i32) {
    %c0_i32 = arith.constant 0 : i32
    %c0_i32_0 = arith.constant 0 : i32
    %c0_i32_1 = arith.constant 0 : i32
    return %c0_i32, %c0_i32_0 : i32, i32
  }
}

</mosaic_0001>

<sc_bundles>
// kernel: kernel.4.cloned.1.call-start
scs
__scs_entry_jumppad:
0x0: {  	(pc) =	sbr.rel $0x88, $3  }
0x1: {  	(tag) =	ssettag $0x0;
	lr =	simm.s32 $0x1  }
0x2: {  	[smem:$0x3F9F] =	sst lr;
	_ =	strace $0xD0000000  }
0x3: {  	_ = 	snop  }
0x4: {  	_ = 	snop  }
0x5: {  	_ = 	snop  }
0x6: {  	_ = 	snop  }
0x7: {  	_ = 	snop  }
__scs_overlays_trampoline_lowered:
0x8: {  	[smem:$0x3FAE] =	sst s0  }
0x9: {  	[smem:$0x3FAF] =	sst s1  }
0xa: {  	[smem:$0x3FB0] =	sst s2  }
0xb: {  	[smem:$0x3FB1] =	sst s3  }
0xc: {  	[smem:$0x3FB2] =	sst s4  }
0xd: {  	[smem:$0x3FB3] =	sst s5  }
0xe: {  	[smem:$0x3FB4] =	sst s6  }
0xf: {  	[smem:$0x3FB5] =	sst s7  }
0x10: {  	[smem:$0x3FB6] =	sst s8  }
0x11: {  	[smem:$0x3FB7] =	sst s9;
	s0 =	simm.s32 @!p0 $0x0  }
0x12: {  	s1 =	sld [smem:$0x3F9D];
	s0 =	simm.s32 @p0 $0x1  }
0x13: {  	[smem:$0x3FB8] =	sst s0;
	s0 =	simm.s32 @!p1 $0x0  }
0x14: {  	s2 =	sld [smem:$0x3F9C];
	s0 =	simm.s32 @p1 $0x1  }
0x15: {  	[smem:$0x3FB9] =	sst s0;
	s0 =	simm.s32 @!p2 $0x0  }
0x16: {  	s3 =	sld [smem:$0x3FDB];
	s0 =	simm.s32 @p2 $0x1  }
0x17: {  	s4 =	simm.s32 $0x1BF5;
	[smem:$0x3FBB] =	sst s0  }
0x18: {  	s0 =	sld [smem:$0x3F9E];
	_ =	swait.ge [sflag:s4], $0x0  }
0x19: {  	s7 =	sld [smem:$0x3F9F]  }
0x1a: {  	s8 =	sadd.s32 $0xFFFFE003, lr  }
0x1b: {  	s9 =	sadd.s32 $0xFFFFFEF7, lr;
	s5 =	simm.s32 $0xFFFFFFFF;
	p2 =	slt.u32 s8, $0xFFFFF086  }
0x1c: {  	p1 =	slt.u32 s9, $0xF7A;
	s5 =	simm.s32 @!p2 $0x0  }
0x1d: {  	s5 =	simm.s32 @p1 $0x1;
	p0 =	seq.s32 s7, s2  }
0x1e: {  	s7 =	smul.u32 @!p0 $0xF7A, s2;
	p2 =	seq.s32 @!p0 s5, $0x0  }
0x1f: {  	s9 =	smul.u32 $0xF7A, s1;
	s8 =	simm.s32 @!p0 $0x1BF5;
	p2 =	por !p2, p0  }
0x20: {  	[sflag:s8] =	ssyncset.s32 @!p0 $0xFFFFF086;
	s6 =	sadd.s32 @!p0 s3, s7;
	s7 =	simm.s32 @!p0 $0x108  }
0x21: {  	s3 =	sadd.s32 s3, s9;
	s6 =	sadd.s32 @!p0 $0x88, s6;
	s7 =	simm.s32 @p2 $0x1082  }
0x22: {  	[simem:s7], [sflag:s8] =	dma.local @!p0 [hbm:s6], $0xF7A  }
0x23: {  	s9 =	sor.u32 $0xD0000000, s2;
	s6 =	simm.s32 $0x108;
	_ =	swait.ge @!p0 [sflag:s8], $0x0  }
0x24: {  	s3 =	sadd.s32 $0x88, s3;
	s6 =	simm.s32 @!p1 $0x1082;
	[sflag:s4] =	ssyncset.s32 $0xFFFFF086  }
0x25: {  	[simem:s6], [sflag:s4] =	dma.local [hbm:s3], $0xF7A  }
0x26: {  	[smem:$0x3F9F] =	sst s1;
	(tag) =	ssettag s2;
	_ =	strace s9  }
0x27: {  	s1 =	sld [smem:$0x3FAF]  }
0x28: {  	s2 =	sld [smem:$0x3FB0]  }
0x29: {  	s4 =	sld [smem:$0x3FB2]  }
0x2a: {  	p0 =	seq.s32 s5, $0x0;
	s5 =	sld [smem:$0x3FB3]  }
0x2b: {  	s6 =	sld [smem:$0x3FB4]  }
0x2c: {  	s7 =	sld [smem:$0x3FB5]  }
0x2d: {  	s3 =	simm.s32 $0x108;
	s8 =	sld [smem:$0x3FB6]  }
0x2e: {  	s3 =	simm.s32 @!p0 $0x1082;
	s9 =	sld [smem:$0x3FB7]  }
0x2f: {  	lr =	sadd.s32 s0, s3;
	s0 =	sld [smem:$0x3FAE]  }
0x30: {  	s3 =	sld [smem:$0x3FB1]  }
0x31: {  	[smem:$0x3FBA] =	sst s10  }
0x32: {  	s10 =	sld [smem:$0x3FB8];
	_ =	sdelay $0x3  }
0x33: {  	p0 =	seq.s32 s10, $0x1;
	s10 =	sld [smem:$0x3FBA];
	_ =	sdelay $0x3  }
0x34: {  	[smem:$0x3FBA] =	sst s10  }
0x35: {  	s10 =	sld [smem:$0x3FB9];
	_ =	sdelay $0x3  }
0x36: {  	p1 =	seq.s32 s10, $0x1;
	s10 =	sld [smem:$0x3FBA];
	_ =	sdelay $0x3  }
0x37: {  	[smem:$0x3FBA] =	sst s10  }
0x38: {  	s10 =	sld [smem:$0x3FBB]  }
0x39: {  	_ = 	snop;
	(pc) =	sbr.ind lr, $3  }
0x3a: {  	_ = 	snop  }
0x3b: {  	_ = 	snop  }
0x3c: {  	p2 =	seq.s32 s10, $0x1;
	s10 =	sld [smem:$0x3FBA]  }
0x3d: {  	_ =	shalt  }
0x3e: {  	_ =	shalt  }
0x3f: {  	_ =	shalt  }
0x40: {  	_ =	shalt  }
0x41: {  	_ =	shalt  }
0x42: {  	_ =	shalt  }
0x43: {  	_ =	shalt  }
0x44: {  	_ =	shalt  }
0x45: {  	_ =	shalt  }
0x46: {  	_ =	shalt  }
0x47: {  	_ =	shalt  }
0x48: {  	_ =	shalt  }
0x49: {  	_ =	shalt  }
0x4a: {  	_ =	shalt  }
0x4b: {  	_ =	shalt  }
0x4c: {  	_ =	shalt  }
0x4d: {  	_ =	shalt  }
0x4e: {  	_ =	shalt  }
0x4f: {  	_ =	shalt  }
0x50: {  	_ =	shalt  }
0x51: {  	_ =	shalt  }
0x52: {  	_ =	shalt  }
0x53: {  	_ =	shalt  }
0x54: {  	_ =	shalt  }
0x55: {  	_ =	shalt  }
0x56: {  	_ =	shalt  }
0x57: {  	_ =	shalt  }
0x58: {  	_ =	shalt  }
0x59: {  	_ =	shalt  }
0x5a: {  	_ =	shalt  }
0x5b: {  	_ =	shalt  }
0x5c: {  	_ =	shalt  }
0x5d: {  	_ =	shalt  }
0x5e: {  	_ =	shalt  }
0x5f: {  	_ =	shalt  }
0x60: {  	_ =	shalt  }
0x61: {  	_ =	shalt  }
0x62: {  	_ =	shalt  }
0x63: {  	_ =	shalt  }
0x64: {  	_ =	shalt  }
0x65: {  	_ =	shalt  }
0x66: {  	_ =	shalt  }
0x67: {  	_ =	shalt  }
0x68: {  	_ =	shalt  }
0x69: {  	_ =	shalt  }
0x6a: {  	_ =	shalt  }
0x6b: {  	_ =	shalt  }
0x6c: {  	_ =	shalt  }
0x6d: {  	_ =	shalt  }
0x6e: {  	_ =	shalt  }
0x6f: {  	_ =	shalt  }
0x70: {  	_ =	shalt  }
0x71: {  	_ =	shalt  }
0x72: {  	_ =	shalt  }
0x73: {  	_ =	shalt  }
0x74: {  	_ =	shalt  }
0x75: {  	_ =	shalt  }
0x76: {  	_ =	shalt  }
0x77: {  	_ =	shalt  }
0x78: {  	_ =	shalt  }
0x79: {  	_ =	shalt  }
0x7a: {  	_ =	shalt  }
0x7b: {  	_ =	shalt  }
0x7c: {  	_ =	shalt  }
0x7d: {  	_ =	shalt  }
0x7e: {  	_ =	shalt  }
0x7f: {  	_ =	shalt  }
0x80: {  	_ =	shalt  }
0x81: {  	_ =	shalt  }
0x82: {  	_ =	shalt  }
0x83: {  	_ =	shalt  }
0x84: {  	_ =	shalt  }
0x85: {  	_ =	shalt  }
0x86: {  	_ =	shalt  }
0x87: {  	_ =	shalt  }
.Lfunc_end0:
.L_simem_size_0:
called_computation_lowered:
.L_overlay_start_0:
0x88: {  	s2 =	sld [smem:$0x3FD9]  }
0x89: {  	s3 =	sld [smem:$0x3FFE];
	_ =	sdelay $0x1  }
0x8a: {  	s1 =	srdreg.scid  }
0x8b: {  	s0 =	sand.u32 $0x1, s1  }
0x8c: {  	s17 =	sshll.u32 s0, $0xA;
	s2 =	sadd.s32 s3, s2  }
0x8d: {  	s2 =	sadd.s32 s2, s17  }
0x8e: {  	[smem:$0x3FC6] =	sst s2  }
0x8f: {  	_ = 	snop  }
0x90: {  	s2 =	sld [smem:$0x3FC9];
	(tm) =	ssettm $0x1  }
0x91: {  	s18 =	sld [smem:$0x3FFB];
	_ =	sdelay $0x3  }
0x92: {  	_ =	strace s18  }
0x93: {  	s3 =	sld [smem:$0x3FFC];
	_ =	sdelay $0x3  }
0x94: {  	_ =	strace s3  }
0x95: {  	s3 =	sld [smem:$0x3FFD];
	_ =	sdelay $0x3  }
0x96: {  	_ =	strace s3  }
0x97: {  	_ =	strace $0x8FFFFFFF  }
0x98: {  	s19 =	sld [smem:$0x3FDB];
	_ =	sdelay $0x1  }
0x99: {  	s4 =	simm.s32 $_scs_section_size  }
0x9a: {  	s5 =	simm.s32 $_size__tile_overlayer_lowered;
	s6 =	simm.s32 $_tile_overlayer_lowered  }
0x9b: {  	s22 =	simm.s32 $0x1BFF;
	s21 =	sshll.u32 s6, $0x1;
	s3 =	sadd.s32 s4, s19  }
0x9c: {  	s7 =	simm.s32 $0x0;
	s20 =	sshll.u32 s5, $0x1;
	s5 =	sadd.s32 s21, s3  }
0x9d: {  	[timem:s7], [sflag:s22] =	dma.local [hbm:s5], s20  }
0x9e: {  	_ =	swait.ge [sflag:s22], s20  }
0x9f: {  	s4 =	ssub.s32 $0x0, s20;
	[sflag:s22] =	ssyncset.done $0x0  }
0xa0: {  	[sflag:s22] =	ssyncadd.s32 s4;
	_ =	sdelay $0x1  }
0xa1: {  	s23 =	simm.s32 $0x1B8B  }
0xa2: {  	_ =	swait.ge [sflag:s23], $0x1  }
0xa3: {  	[sflag:s23] =	ssyncset.done $0x0  }
0xa4: {  	s25 =	simm.s32 $0x1B8E;
	s24 =	sld [smem:$0x3FFE];
	[sflag:s23] =	ssyncadd.s32 $0xFFFFFFFF  }
0xa5: {  	s26 =	simm.s32 $execute0_lowered;
	[smem:$0x3FD2] =	sst s25  }
0xa6: {  	s5 =	sshll.u32 s26, $0x1;
	_ =	strace $0x80000046;
	[dreg:$0x1] =	wrdreg $0xFFFFFFFF  }
0xa7: {  	s28 =	simm.s32 $_size_execute0_lowered;
	s3 =	sadd.s32 s3, s5;
	[dreg:$0x0] =	wrdreg $0x0  }
0xa8: {  	s5 =	sshll.u32 s28, $0x1;
	[dreg:$0x2] =	wrdreg s3  }
0xa9: {  	[dreg:$0x3] =	wrdreg s5  }
0xaa: {  	[dreg:$0x4] =	wrdreg $0xC0  }
0xab: {  	_ =	task [dreg:s7], $0x5FFFF  }
0xac: {  	[dreg:$0x1] =	wrdreg $0xFFFFFFFF  }
0xad: {  	[dreg:$0x0] =	wrdreg $0x60  }
0xae: {  	[dreg:$0x2] =	wrdreg s2  }
0xaf: {  	[dreg:$0x3] =	wrdreg s24  }
0xb0: {  	[dreg:$0x4] =	wrdreg $0x9  }
0xb1: {  	_ =	task.clear_ibuf [dreg:s7], $0x5FFFF;
	_ =	strace $0x90000046  }
0xb2: {  	s29 =	simm.s32 $0x9;
	_ =	strace $0x80000048  }
0xb3: {  	_ =	swait.ge [sflag:s29], $0x1  }
0xb4: {  	[sflag:s29] =	ssyncadd.s32 $0xFFFFFFFF  }
0xb5: {  	_ =	strace $0x90000048  }
0xb6: {  	_ =	sfence  }
0xb7: {  	s30 =	sld [smem:$0x0];
	_ =	sdelay $0x2  }
0xb8: {  	s31 =	sshll.u32 s1, $0xD;
	s1 =	sshrl.u32 s1, $0x2  }
0xb9: {  	s3 =	sand.u32 $0x4000, s31;
	s1 =	sadd.s32 s1, s30  }
0xba: {  	s0 =	sor.u32 s3, s0;
	s1 =	sshll.u32 s1, $0x11  }
0xbb: {  	s0 =	sor.u32 s1, s0  }
0xbc: {  	s0 =	sadd.s32 $0x8F2B, s0  }
0xbd: {  	[sflag:s0] =	ssyncadd.remote.s32 $0x1  }
0xbe: {  	_ =	sfence.sel $0xFFFF  }
0xbf: {  	[dreg:$0x0] =	wrdreg $0xFFFFFFFF;
	(pc) =	sbr.abs _section_cstart, $3  }
0xc0: {  	[dreg:$0x1] =	wrdreg $0xFFFFFFFF  }
0xc1: {  	_ =	task.clear_ibuf [dreg:s7], $0x2FFFF;
	_ =	strace $0x9FFFFFFF  }
0xc2: {  	(tm) =	ssettm $0x7FFFFFFF  }
0xc3: {  	_ =	shalt  }
tec
execute0_lowered:
.L_overlay_start_1:
0x0: {  	(tag) =	ssettag $0x1  }
0x1: {  	s2 =	rddreg [dreg:$0x0];
	s1 =	srdreg.scid  }
0x2: {  	s0 =	stileid.u32;
	s4 =	rddreg [dreg:$0x1];
	s3 =	simm.s32 $0x0  }
0x3: {  	s13 =	simm.s32 $0x1200;
	s14 =	simm.s32 $0x1;
	s15 =	simm.s32 $0x2  }
0x4: {  	s16 =	simm.s32 $0x2200;
	s5 =	sand.u32 $0x1, s1;
	s1 =	rddreg [dreg:$0x2]  }
0x5: {  	s17 =	simm.s32 $0x0;
	s6 =	sshll.u32 s0, $0x1;
	[smem:$0x7FF] =	sst s3  }
0x6: {  	s6 =	sor.u32 s5, s6;
	_ =	strace $0x80000047;
	s5 =	ssub.s32 $0x2, s5  }
0x7: {  	s7 =	sshll.u32 s6, $0x6;
	s8 =	sshll.u32 s6, $0x4;
	s9 =	sshrl.u32 s5, $0x1  }
0x8: {  	s10 =	sshll.u32 s6, $0x9;
	s31 =	sshll.u32 s6, $0xC;
	s7 =	sadd.s32 s7, s4  }
0x9: {  	s11 =	sadd.s32 s8, s4;
	s12 =	ssub.s32 s5, s9;
	s30 =	sadd.s32 s10, s2  }
0xa: {  	s8 =	sor.u32 $0xE60000, s31;
	s4 =	sadd.s32 $0x200, s7;
	s5 =	sadd.s32 $0x1C0000, s30  }
0xb: {  	s6 =	sadd.s32 $0x1C4000, s30;
	s7 =	sor.u32 $0xE40000, s31;
	s9 =	sadd.s32 $0xA00, s11  }
0xc: {  	s10 =	smax.u32 s12, $0x1;
	s11 =	simm.s32 $0x3;
	s12 =	simm.s32 $0x200  }
.LBB2_1:
0xd: {  	[tilespmem:s3], [sflag:$0x3] =	stream.linear.gather [hbm4b:s4+s3], $0x200, $0x38;
	[tilespmem:$0x2280] =	vst v63  }
0xe: {  	_ =	swait.ge [sflag:s11], $0x200  }
0xf: {  	[sflag:s11] =	ssyncset.done $0x0  }
0x10: {  	[sflag:s11] =	ssyncadd.s32 $0xFFFFFE00  }
0x11: {  	[tilespmem:s12], [sflag:$0x1] =	stream.linear.gather [hbm4b:s5+s3], $0x1000, $0x38;
	[tilespmem:$0x2280] =	vst v63  }
0x12: {  	s18 =	simm.s32 $0x0  }
0x13: {  	v9 =	vimm.f32 $0.0e+00;
	[tilespmem:s13], [sflag:$0x2] =	stream.linear.gather [hbm4b:s6+s3], $0x1000, $0x38;
	[tilespmem:$0x2280] =	vst v63  }
.LBB2_2:
0x14: {  	s19 =	sshll.u32 s18, $0x4  }
0x15: {  	s20 =	sor.u32 $0x380, s19  }
0x16: {  	_ =	swait.ge [sflag:s14], $0x1000;
	s20 =	scvt.s32.f32 s20  }
0x17: {  	[sflag:s14] =	ssyncset.done $0x0  }
0x18: {  	s28 =	simm.s32 $0x0;
	[sflag:s14] =	ssyncadd.s32 $0xFFFFF000;
	v0 =	vmov s20  }
0x19: {  	v10 =	vld [tilespmem:s28+$0x0];
	v1 =	vadd.f32 $1.000000000e+00, v0  }
0x1a: {  	s21 =	sand.u32 $0x70, s28;
	s22 =	sand.u32 $0xC00, s28  }
0x1b: {  	s21 =	sor.u32 s21, s22;
	v4 =	vadd.f32 $1.000000000e+00, v1  }
0x1c: {  	v8 =	vld [tilespmem:s21+$0x200]  }
0x1d: {  	v11 =	vld [tilespmem:s21+$0x280];
	v5 =	vadd.f32 $1.000000000e+00, v4  }
0x1e: {  	v16 =	vld [tilespmem:s21+$0x300];
	v12 =	vsub.f32 v0, v10  }
0x1f: {  	v14 =	vsub.f32 v1, v10;
	v6 =	vadd.f32 $1.000000000e+00, v5  }
0x20: {  	v15 =	vld [tilespmem:s21+$0x380];
	v17 =	vsub.f32 v4, v10  }
0x21: {  	v13 =	vld [tilespmem:s21+$0x480];
	v12 =	vand.u32 $0x7FFFFFFF, v12;
	v14 =	vand.u32 $0x7FFFFFFF, v14;
	v7 =	vadd.f32 $1.000000000e+00, v6  }
0x22: {  	v19 =	vld [tilespmem:s21+$0x500];
	v18 =	vsub.f32 v5, v10;
	v11 =	vmul.f32 v11, v14;
	v14 =	vand.u32 $0x7FFFFFFF, v17  }
0x23: {  	s23 =	simm.s32 $0x10;
	s20 =	sor.u32 s28, s28;
	v21 =	vmul.f32 v12, v8;
	v12 =	vld [tilespmem:s21+$0x400];
	v14 =	vmul.f32 v16, v14;
	v2 =	vadd.f32 $1.000000000e+00, v7  }
0x24: {  	s29 =	sor.u32 $0x380, s20;
	s20 =	simm.s32 $0x80;
	v8 =	vld [tilespmem:s23+$0x0];
	v17 =	vand.u32 $0x7FFFFFFF, v18;
	v18 =	vsub.f32 v6, v10;
	v20 =	vsub.f32 v7, v10  }
0x25: {  	s30 =	sand.u32 $0x70, s23;
	s24 =	sand.u32 $0xC00, s20;
	v11 =	vadd.f32 $0.0e+00, v11;
	v15 =	vmul.f32 v15, v17;
	v22 =	vsub.f32 v2, v10  }
0x26: {  	s31 =	sor.u32 s30, s24;
	v17 =	vld [tilespmem:s29+$0x200];
	v18 =	vand.u32 $0x7FFFFFFF, v18;
	v3 =	vadd.f32 $1.000000000e+00, v2;
	v20 =	vand.u32 $0x7FFFFFFF, v20  }
0x27: {  	v24 =	vadd.f32 v15, v11;
	v23 =	vmul.f32 v13, v20;
	v13 =	vld [tilespmem:s31+$0x200];
	v16 =	vand.u32 $0x7FFFFFFF, v22  }
0x28: {  	v10 =	vsub.f32 v3, v10;
	v22 =	vmul.f32 v12, v18;
	v18 =	vadd.f32 v21, v9  }
0x29: {  	v11 =	vsub.f32 v0, v8;
	v20 =	vld [tilespmem:s31+$0x280];
	v21 =	vsub.f32 v1, v8;
	v12 =	vmul.f32 v19, v16  }
0x2a: {  	v9 =	vld [tilespmem:s31+$0x480];
	v19 =	vsub.f32 v7, v8;
	v10 =	vand.u32 $0x7FFFFFFF, v10;
	v25 =	vadd.f32 v14, v18  }
0x2b: {  	v16 =	vld [tilespmem:s31+$0x380];
	v15 =	vmul.f32 v17, v10;
	v10 =	vand.u32 $0x7FFFFFFF, v11;
	v11 =	vsub.f32 v4, v8  }
0x2c: {  	v14 =	vld [tilespmem:s31+$0x300];
	v10 =	vmul.f32 v10, v13;
	v13 =	vand.u32 $0x7FFFFFFF, v21;
	v21 =	vsub.f32 v5, v8  }
0x2d: {  	v23 =	vadd.f32 v23, v24;
	v22 =	vadd.f32 v22, v25;
	v17 =	vand.u32 $0x7FFFFFFF, v11;
	v11 =	vld [tilespmem:s31+$0x500]  }
0x2e: {  	s22 =	simm.s32 $0x20;
	s23 =	sor.u32 s20, s23;
	s21 =	simm.s32 $0x20;
	v18 =	vmul.f32 v20, v13;
	v13 =	vld [tilespmem:s31+$0x400];
	v20 =	vand.u32 $0x7FFFFFFF, v21;
	v21 =	vsub.f32 v6, v8  }
.LBB2_3:
0x2f: {  	s23 =	sor.u32 $0x380, s23;
	s20 =	sadd.s32 $0x80, s20  }
0x30: {  	v24 =	vld [tilespmem:s21+$0x0];
	v19 =	vand.u32 $0x7FFFFFFF, v19;
	v25 =	vsub.f32 v2, v8;
	v12 =	vadd.f32 v12, v22;
	s24 =	smov.u32 s22;
	s25 =	sadd.s32 $0x10, s22;
	p0 =	sne.s32 s22, $0x1F0  }
0x31: {  	s26 =	sand.u32 $0x70, s24;
	s28 =	sand.u32 $0xC00, s20;
	v16 =	vmul.f32 v16, v20;
	v20 =	vand.u32 $0x7FFFFFFF, v21;
	v21 =	vld [tilespmem:s23+$0x200];
	v15 =	vadd.f32 v15, v23  }
0x32: {  	v18 =	vadd.f32 $0.0e+00, v18;
	v23 =	vmul.f32 v9, v19;
	s22 =	sor.u32 s26, s28;
	v14 =	vmul.f32 v14, v17  }
0x33: {  	v19 =	vsub.f32 v3, v8;
	v9 =	vand.u32 $0x7FFFFFFF, v25;
	v17 =	vld [tilespmem:s22+$0x200];
	v15 =	vadd.f32 v15, v12  }
0x34: {  	v25 =	vadd.f32 v16, v18;
	v12 =	vmul.f32 v11, v9;
	v22 =	vld [tilespmem:s22+$0x280];
	v13 =	vmul.f32 v13, v20  }
0x35: {  	v11 =	vsub.f32 v0, v24;
	v10 =	vadd.f32 v10, v15;
	v15 =	vand.u32 $0x7FFFFFFF, v19;
	v8 =	vmovc v24  }
.Ltmp0:
0x36: {  	v18 =	vsub.f32 v1, v8;
	v9 =	vld [tilespmem:s22+$0x480];
	v19 =	vsub.f32 v7, v8;
	v15 =	vmul.f32 v21, v15;
	(pc) =	sbr.rel @p0 .LBB2_3-.Ltmp0, $4  }
0x37: {  	v20 =	vsub.f32 v4, v8;
	v11 =	vand.u32 $0x7FFFFFFF, v11;
	v16 =	vld [tilespmem:s22+$0x380];
	v21 =	vadd.f32 v14, v10  }
0x38: {  	v24 =	vsub.f32 v5, v8;
	v10 =	vmul.f32 v11, v17;
	v11 =	vand.u32 $0x7FFFFFFF, v18;
	v14 =	vld [tilespmem:s22+$0x300]  }
0x39: {  	v17 =	vand.u32 $0x7FFFFFFF, v20;
	v18 =	vmul.f32 v22, v11;
	v11 =	vld [tilespmem:s22+$0x500];
	v22 =	vadd.f32 v13, v21  }
0x3a: {  	s21 =	sadd.s32 $0x10, s21;
	s23 =	sor.u32 s20, s24;
	v23 =	vadd.f32 v23, v25;
	v20 =	vand.u32 $0x7FFFFFFF, v24;
	v21 =	vsub.f32 v6, v8;
	v13 =	vld [tilespmem:s22+$0x400];
	s22 =	smov.u32 s25  }
0x3b: {  	s20 =	sor.u32 $0x388, s19;
	s19 =	sshll.u32 s18, $0x12  }
0x3c: {  	s20 =	scvt.s32.f32 s20;
	s21 =	sadd.s32 s7, s19  }
0x3d: {  	v4 =	vadd.f32 v12, v22;
	v6 =	vand.u32 $0x7FFFFFFF, v19;
	v5 =	vadd.f32 v15, v23;
	s21 =	sshrl.u32 s21, $0x3  }
0x3e: {  	s22 =	sor.u32 $0x380, s23;
	s24 =	simm.s32 $0x0;
	v12 =	vsub.f32 v2, v8;
	v8 =	vsub.f32 v3, v8;
	v0 =	vmov s20;
	s23 =	sadd.s32 s2, s21  }
0x3f: {  	v7 =	vld [tilespmem:s22+$0x200];
	v15 =	vmul.f32 v16, v20;
	v4 =	vadd.f32 v5, v4;
	v1 =	vadd.f32 $1.000000000e+00, v0;
	[tilespmem:s12], [sflag:$0x1] =	stream.linear.gather [hbm4b:s23+s24], $0x1000, $0x38  }
0x40: {  	v16 =	vadd.f32 $0.0e+00, v18;
	v6 =	vmul.f32 v9, v6;
	v14 =	vmul.f32 v14, v17;
	_ =	swait.ge [sflag:s15], $0x1000  }
0x41: {  	v9 =	vand.u32 $0x7FFFFFFF, v12;
	v4 =	vadd.f32 v10, v4;
	v2 =	vadd.f32 $1.000000000e+00, v1;
	[sflag:s15] =	ssyncset.done $0x0  }
0x42: {  	v8 =	vand.u32 $0x7FFFFFFF, v8;
	v5 =	vand.u32 $0x7FFFFFFF, v21;
	v10 =	vadd.f32 v15, v16;
	[sflag:s15] =	ssyncadd.s32 $0xFFFFF000  }
0x43: {  	v5 =	vmul.f32 v13, v5;
	v12 =	vadd.f32 v14, v4;
	v3 =	vadd.f32 $1.000000000e+00, v2;
	v13 =	vld [tilespmem:s24+$0x0]  }
0x44: {  	s25 =	sand.u32 $0x70, s24;
	s26 =	sand.u32 $0xC00, s24;
	v8 =	vmul.f32 v7, v8;
	v6 =	vadd.f32 v6, v10  }
0x45: {  	v9 =	vmul.f32 v11, v9;
	s20 =	sor.u32 s25, s26;
	v5 =	vadd.f32 v5, v12;
	v4 =	vadd.f32 $1.000000000e+00, v3  }
0x46: {  	v10 =	vld [tilespmem:s20+$0x1200];
	v8 =	vadd.f32 v8, v6  }
0x47: {  	v5 =	vadd.f32 v9, v5;
	v9 =	vld [tilespmem:s20+$0x1280];
	v7 =	vadd.f32 $1.000000000e+00, v4  }
0x48: {  	v15 =	vld [tilespmem:s20+$0x1380];
	v11 =	vsub.f32 v0, v13;
	v14 =	vsub.f32 v1, v13  }
0x49: {  	v19 =	vld [tilespmem:s20+$0x1500];
	v16 =	vadd.f32 v8, v5;
	v17 =	vsub.f32 v2, v13  }
0x4a: {  	v12 =	vld [tilespmem:s20+$0x1480];
	v18 =	vsub.f32 v3, v13;
	v21 =	vsub.f32 v4, v13  }
0x4b: {  	v6 =	vadd.f32 $1.000000000e+00, v7;
	v8 =	vand.u32 $0x7FFFFFFF, v11;
	v11 =	vld [tilespmem:s20+$0x1300];
	v14 =	vand.u32 $0x7FFFFFFF, v14  }
0x4c: {  	s28 =	simm.s32 $0x10;
	v20 =	vsub.f32 v7, v13;
	v17 =	vand.u32 $0x7FFFFFFF, v17;
	v9 =	vmul.f32 v9, v14;
	v14 =	vld [tilespmem:s20+$0x1400]  }
0x4d: {  	s29 =	sor.u32 s24, s24;
	v18 =	vand.u32 $0x7FFFFFFF, v18;
	v21 =	vand.u32 $0x7FFFFFFF, v21;
	v10 =	vmul.f32 v8, v10;
	v8 =	vld [tilespmem:s28+$0x0]  }
0x4e: {  	s21 =	sor.u32 $0x380, s29;
	v5 =	vadd.f32 $1.000000000e+00, v6;
	s20 =	simm.s32 $0x80;
	v20 =	vand.u32 $0x7FFFFFFF, v20;
	v22 =	vsub.f32 v6, v13  }
0x4f: {  	s30 =	sand.u32 $0x70, s28;
	v15 =	vmul.f32 v15, v18;
	v18 =	vld [tilespmem:s21+$0x1200];
	s24 =	sand.u32 $0xC00, s20;
	v23 =	vmul.f32 v12, v20;
	v9 =	vadd.f32 $0.0e+00, v9  }
0x50: {  	s31 =	sor.u32 s30, s24;
	v12 =	vand.u32 $0x7FFFFFFF, v22;
	v13 =	vsub.f32 v5, v13;
	v10 =	vadd.f32 v10, v16  }
0x51: {  	v12 =	vmul.f32 v19, v12;
	v11 =	vmul.f32 v11, v17;
	v17 =	vld [tilespmem:s31+$0x1200];
	v24 =	vadd.f32 v15, v9  }
0x52: {  	v20 =	vld [tilespmem:s31+$0x1280];
	v15 =	vmul.f32 v14, v21;
	v14 =	vsub.f32 v0, v8;
	v21 =	vsub.f32 v1, v8  }
0x53: {  	v16 =	vld [tilespmem:s31+$0x1380];
	v13 =	vand.u32 $0x7FFFFFFF, v13;
	v19 =	vsub.f32 v7, v8;
	v22 =	vadd.f32 v11, v10  }
0x54: {  	v9 =	vld [tilespmem:s31+$0x1480];
	v13 =	vmul.f32 v18, v13;
	v18 =	vsub.f32 v2, v8;
	v14 =	vand.u32 $0x7FFFFFFF, v14  }
0x55: {  	v11 =	vand.u32 $0x7FFFFFFF, v21;
	v21 =	vsub.f32 v3, v8;
	v22 =	vadd.f32 v15, v22;
	v15 =	vld [tilespmem:s31+$0x1400]  }
0x56: {  	v23 =	vadd.f32 v23, v24;
	v18 =	vand.u32 $0x7FFFFFFF, v18;
	v10 =	vmul.f32 v14, v17;
	v14 =	vld [tilespmem:s31+$0x1300]  }
0x57: {  	s22 =	simm.s32 $0x20;
	s21 =	simm.s32 $0x20;
	s23 =	sor.u32 s20, s28;
	v17 =	vmul.f32 v20, v11;
	v11 =	vld [tilespmem:s31+$0x1500];
	v20 =	vand.u32 $0x7FFFFFFF, v21;
	v21 =	vsub.f32 v4, v8  }
.LBB2_5:
0x58: {  	s23 =	sor.u32 $0x380, s23;
	s20 =	sadd.s32 $0x80, s20  }
0x59: {  	v24 =	vld [tilespmem:s21+$0x0];
	v19 =	vand.u32 $0x7FFFFFFF, v19;
	v25 =	vsub.f32 v6, v8;
	v12 =	vadd.f32 v12, v22;
	s24 =	smov.u32 s22;
	s25 =	sadd.s32 $0x10, s22;
	p0 =	sne.s32 s22, $0x1F0  }
0x5a: {  	s26 =	sand.u32 $0x70, s24;
	s28 =	sand.u32 $0xC00, s20;
	v16 =	vmul.f32 v16, v20;
	v20 =	vand.u32 $0x7FFFFFFF, v21;
	v21 =	vld [tilespmem:s23+$0x1200];
	v13 =	vadd.f32 v13, v23  }
0x5b: {  	v17 =	vadd.f32 $0.0e+00, v17;
	v23 =	vmul.f32 v9, v19;
	s22 =	sor.u32 s26, s28;
	v14 =	vmul.f32 v14, v18  }
0x5c: {  	v19 =	vsub.f32 v5, v8;
	v9 =	vand.u32 $0x7FFFFFFF, v25;
	v18 =	vld [tilespmem:s22+$0x1200];
	v13 =	vadd.f32 v13, v12  }
0x5d: {  	v25 =	vadd.f32 v16, v17;
	v12 =	vmul.f32 v11, v9;
	v22 =	vld [tilespmem:s22+$0x1280];
	v15 =	vmul.f32 v15, v20  }
0x5e: {  	v11 =	vsub.f32 v0, v24;
	v10 =	vadd.f32 v10, v13;
	v13 =	vand.u32 $0x7FFFFFFF, v19;
	v8 =	vmovc v24  }
.Ltmp1:
0x5f: {  	v17 =	vsub.f32 v1, v8;
	v9 =	vld [tilespmem:s22+$0x1480];
	v19 =	vsub.f32 v7, v8;
	v13 =	vmul.f32 v21, v13;
	(pc) =	sbr.rel @p0 .LBB2_5-.Ltmp1, $4  }
0x60: {  	v20 =	vsub.f32 v2, v8;
	v11 =	vand.u32 $0x7FFFFFFF, v11;
	v16 =	vld [tilespmem:s22+$0x1380];
	v21 =	vadd.f32 v14, v10  }
0x61: {  	v24 =	vsub.f32 v3, v8;
	v10 =	vmul.f32 v11, v18;
	v11 =	vand.u32 $0x7FFFFFFF, v17;
	v14 =	vld [tilespmem:s22+$0x1300]  }
0x62: {  	v18 =	vand.u32 $0x7FFFFFFF, v20;
	v17 =	vmul.f32 v22, v11;
	v11 =	vld [tilespmem:s22+$0x1500];
	v22 =	vadd.f32 v15, v21  }
0x63: {  	s21 =	sadd.s32 $0x10, s21;
	s23 =	sor.u32 s20, s24;
	v23 =	vadd.f32 v23, v25;
	v20 =	vand.u32 $0x7FFFFFFF, v24;
	v21 =	vsub.f32 v4, v8;
	v15 =	vld [tilespmem:s22+$0x1400];
	s22 =	smov.u32 s25  }
0x64: {  	_ = 	snop  }
0x65: {  	v0 =	vadd.f32 v12, v22;
	v1 =	vadd.f32 v13, v23;
	_ =	sdelay $0x1  }
0x66: {  	s20 =	sor.u32 $0x380, s23;
	v60 =	vsub.f32 v6, v8;
	v0 =	vadd.f32 v1, v0  }
0x67: {  	v2 =	vand.u32 $0x7FFFFFFF, v19;
	v7 =	vadd.f32 $0.0e+00, v17;
	v5 =	vsub.f32 v5, v8;
	v61 =	vld [tilespmem:s20+$0x1200]  }
0x68: {  	v3 =	vmul.f32 v16, v20;
	v62 =	vmul.f32 v14, v18;
	v0 =	vadd.f32 v10, v0  }
0x69: {  	v4 =	vand.u32 $0x7FFFFFFF, v21;
	v2 =	vmul.f32 v9, v2;
	v1 =	vand.u32 $0x7FFFFFFF, v60  }
0x6a: {  	v3 =	vadd.f32 v3, v7;
	v4 =	vmul.f32 v15, v4;
	v0 =	vadd.f32 v62, v0  }
0x6b: {  	p0 =	seq.s32 s18, $0x5;
	v5 =	vand.u32 $0x7FFFFFFF, v5;
	v1 =	vmul.f32 v11, v1  }
.Ltmp2:
0x6c: {  	v2 =	vadd.f32 v2, v3;
	v5 =	vmul.f32 v61, v5;
	v0 =	vadd.f32 v4, v0;
	(pc) =	sbr.rel @p0 .LBB2_8-.Ltmp2, $3  }
0x6d: {  	_ = 	snop  }
0x6e: {  	v63 =	vadd.f32 v5, v2;
	v0 =	vadd.f32 v1, v0;
	_ =	sdelay $0x1  }
0x6f: {  	v9 =	vadd.f32 v63, v0  }
.Ltmp3:
0x70: {  	(pc) =	sbr.rel .LBB2_2-.Ltmp3, $4  }
0x71: {  	s19 =	sadd.s32 s8, s19  }
0x72: {  	s19 =	sshrl.u32 s19, $0x3  }
0x73: {  	s18 =	sadd.s32 $0x1, s18;
	s19 =	sadd.s32 s2, s19  }
0x74: {  	[tilespmem:s13], [sflag:$0x2] =	stream.linear.gather [hbm4b:s19+s3], $0x1000, $0x38;
	[tilespmem:$0x2280] =	vst v63  }
.LBB2_8:
0x75: {  	_ =	swait.ge [sflag:s14], $0x1000  }
0x76: {  	[sflag:s14] =	ssyncset.done $0x0  }
0x77: {  	s18 =	simm.s32 $0x0;
	[sflag:s14] =	ssyncadd.s32 $0xFFFFF000  }
0x78: {  	s19 =	sand.u32 $0x70, s18;
	s20 =	sand.u32 $0xC00, s18;
	v1 =	vld [tilespmem:s18+$0x0]  }
0x79: {  	s19 =	sor.u32 s19, s20  }
0x7a: {  	v0 =	vld [tilespmem:s19+$0x200]  }
0x7b: {  	v2 =	vld [tilespmem:s19+$0x280]  }
0x7c: {  	v4 =	vld [tilespmem:s19+$0x480]  }
0x7d: {  	v6 =	vld [tilespmem:s19+$0x380];
	v5 =	vsub.f32 $9.930000000e+02, v1  }
0x7e: {  	v7 =	vld [tilespmem:s19+$0x300];
	v3 =	vsub.f32 $9.920000000e+02, v1;
	v8 =	vsub.f32 $9.940000000e+02, v1  }
0x7f: {  	v11 =	vld [tilespmem:s19+$0x500];
	v10 =	vsub.f32 $9.950000000e+02, v1;
	v12 =	vsub.f32 $9.970000000e+02, v1;
	v5 =	vand.u32 $0x7FFFFFFF, v5  }
0x80: {  	s21 =	simm.s32 $0x10;
	s18 =	sor.u32 s18, s18;
	v13 =	vsub.f32 $9.960000000e+02, v1;
	v3 =	vand.u32 $0x7FFFFFFF, v3;
	v2 =	vmul.f32 v2, v5;
	v5 =	vld [tilespmem:s19+$0x400]  }
0x81: {  	s29 =	sor.u32 $0x380, s18;
	s18 =	simm.s32 $0x80;
	v14 =	vsub.f32 $9.980000000e+02, v1;
	v1 =	vsub.f32 $9.990000000e+02, v1;
	v3 =	vmul.f32 v3, v0;
	v0 =	vld [tilespmem:s21+$0x0]  }
0x82: {  	s30 =	sand.u32 $0x70, s21;
	s22 =	sand.u32 $0xC00, s18;
	v8 =	vand.u32 $0x7FFFFFFF, v8;
	v10 =	vand.u32 $0x7FFFFFFF, v10;
	v12 =	vand.u32 $0x7FFFFFFF, v12  }
0x83: {  	s31 =	sor.u32 s30, s22;
	v6 =	vmul.f32 v6, v10;
	v10 =	vld [tilespmem:s29+$0x200];
	v7 =	vmul.f32 v7, v8;
	v2 =	vadd.f32 $0.0e+00, v2  }
0x84: {  	v15 =	vmul.f32 v4, v12;
	v12 =	vld [tilespmem:s31+$0x200];
	v4 =	vand.u32 $0x7FFFFFFF, v14;
	v3 =	vadd.f32 v3, v9  }
0x85: {  	v13 =	vand.u32 $0x7FFFFFFF, v13;
	v14 =	vld [tilespmem:s31+$0x280];
	v4 =	vmul.f32 v11, v4;
	v16 =	vadd.f32 v6, v2  }
0x86: {  	v7 =	vadd.f32 v7, v3;
	v13 =	vmul.f32 v5, v13;
	v2 =	vsub.f32 $9.920000000e+02, v0  }
0x87: {  	v8 =	vld [tilespmem:s31+$0x380];
	v5 =	vand.u32 $0x7FFFFFFF, v1;
	v6 =	vsub.f32 $9.930000000e+02, v0;
	v11 =	vsub.f32 $9.970000000e+02, v0  }
0x88: {  	v1 =	vld [tilespmem:s31+$0x480];
	v5 =	vmul.f32 v10, v5;
	v10 =	vsub.f32 $9.940000000e+02, v0;
	v2 =	vand.u32 $0x7FFFFFFF, v2  }
0x89: {  	v3 =	vand.u32 $0x7FFFFFFF, v6;
	v6 =	vld [tilespmem:s31+$0x300];
	v2 =	vmul.f32 v2, v12;
	v12 =	vsub.f32 $9.950000000e+02, v0  }
0x8a: {  	v15 =	vadd.f32 v15, v16;
	v9 =	vmul.f32 v14, v3;
	v10 =	vand.u32 $0x7FFFFFFF, v10;
	v3 =	vld [tilespmem:s31+$0x500]  }
0x8b: {  	s20 =	simm.s32 $0x20;
	s21 =	sor.u32 s18, s21;
	s19 =	simm.s32 $0x20;
	v14 =	vadd.f32 v13, v7;
	v7 =	vld [tilespmem:s31+$0x400];
	v13 =	vsub.f32 $9.960000000e+02, v0;
	v12 =	vand.u32 $0x7FFFFFFF, v12  }
.LBB2_9:
0x8c: {  	s21 =	sor.u32 $0x380, s21;
	s18 =	sadd.s32 $0x80, s18  }
0x8d: {  	v16 =	vld [tilespmem:s19+$0x0];
	v11 =	vand.u32 $0x7FFFFFFF, v11;
	v17 =	vsub.f32 $9.980000000e+02, v0;
	v4 =	vadd.f32 v4, v14;
	s22 =	smov.u32 s20;
	s23 =	sadd.s32 $0x10, s20;
	p0 =	sne.s32 s20, $0x1F0  }
0x8e: {  	s24 =	sand.u32 $0x70, s22;
	s25 =	sand.u32 $0xC00, s18;
	v8 =	vmul.f32 v8, v12;
	v12 =	vand.u32 $0x7FFFFFFF, v13;
	v13 =	vld [tilespmem:s21+$0x200];
	v5 =	vadd.f32 v5, v15  }
0x8f: {  	v9 =	vadd.f32 $0.0e+00, v9;
	v15 =	vmul.f32 v1, v11;
	s20 =	sor.u32 s24, s25;
	v6 =	vmul.f32 v6, v10  }
0x90: {  	v11 =	vsub.f32 $9.990000000e+02, v0;
	v1 =	vand.u32 $0x7FFFFFFF, v17;
	v10 =	vld [tilespmem:s20+$0x200];
	v5 =	vadd.f32 v5, v4  }
0x91: {  	v17 =	vadd.f32 v8, v9;
	v4 =	vmul.f32 v3, v1;
	v14 =	vld [tilespmem:s20+$0x280];
	v7 =	vmul.f32 v7, v12  }
0x92: {  	v3 =	vsub.f32 $9.920000000e+02, v16;
	v2 =	vadd.f32 v2, v5;
	v5 =	vand.u32 $0x7FFFFFFF, v11;
	v0 =	vmovc v16  }
.Ltmp4:
0x93: {  	v9 =	vsub.f32 $9.930000000e+02, v0;
	v1 =	vld [tilespmem:s20+$0x480];
	v11 =	vsub.f32 $9.970000000e+02, v0;
	v5 =	vmul.f32 v13, v5;
	(pc) =	sbr.rel @p0 .LBB2_9-.Ltmp4, $4  }
0x94: {  	v12 =	vsub.f32 $9.940000000e+02, v0;
	v3 =	vand.u32 $0x7FFFFFFF, v3;
	v8 =	vld [tilespmem:s20+$0x380];
	v13 =	vadd.f32 v6, v2  }
0x95: {  	v16 =	vsub.f32 $9.950000000e+02, v0;
	v2 =	vmul.f32 v3, v10;
	v3 =	vand.u32 $0x7FFFFFFF, v9;
	v6 =	vld [tilespmem:s20+$0x300]  }
0x96: {  	v10 =	vand.u32 $0x7FFFFFFF, v12;
	v9 =	vmul.f32 v14, v3;
	v3 =	vld [tilespmem:s20+$0x500];
	v14 =	vadd.f32 v7, v13  }
0x97: {  	s19 =	sadd.s32 $0x10, s19;
	s21 =	sor.u32 s18, s22;
	v15 =	vadd.f32 v15, v17;
	v12 =	vand.u32 $0x7FFFFFFF, v16;
	v13 =	vsub.f32 $9.960000000e+02, v0;
	v7 =	vld [tilespmem:s20+$0x400];
	s20 =	smov.u32 s23  }
0x98: {  	_ = 	snop  }
0x99: {  	v4 =	vadd.f32 v4, v14;
	v5 =	vadd.f32 v5, v15;
	_ =	sdelay $0x1  }
0x9a: {  	s18 =	sor.u32 $0x380, s21;
	v58 =	vsub.f32 $9.980000000e+02, v0;
	v4 =	vadd.f32 v5, v4  }
0x9b: {  	v11 =	vand.u32 $0x7FFFFFFF, v11;
	v9 =	vadd.f32 $0.0e+00, v9;
	v62 =	vsub.f32 $9.990000000e+02, v0;
	v60 =	vld [tilespmem:s18+$0x200]  }
0x9c: {  	v8 =	vmul.f32 v8, v12;
	v6 =	vmul.f32 v6, v10;
	v2 =	vadd.f32 v2, v4  }
0x9d: {  	v59 =	vand.u32 $0x7FFFFFFF, v13;
	v1 =	vmul.f32 v1, v11;
	v61 =	vand.u32 $0x7FFFFFFF, v58  }
0x9e: {  	v63 =	vadd.f32 v8, v9;
	v7 =	vmul.f32 v7, v59;
	v2 =	vadd.f32 v6, v2  }
0x9f: {  	v0 =	vand.u32 $0x7FFFFFFF, v62;
	v3 =	vmul.f32 v3, v61  }
0xa0: {  	v1 =	vadd.f32 v1, v63;
	v0 =	vmul.f32 v60, v0;
	v2 =	vadd.f32 v7, v2;
	_ =	sdelay $0x1  }
0xa1: {  	v0 =	vadd.f32 v0, v1;
	v2 =	vadd.f32 v3, v2;
	_ =	sdelay $0x1  }
0xa2: {  	v0 =	vadd.f32 v0, v2;
	_ =	sdelay $0x1  }
0xa3: {  	s17 =	sadd.s32 $0x1, s17;
	v0 =	vmul.f32 $6.103515910e-08, v0  }
0xa4: {  	p0 =	sne.s32 s17, s10  }
.Ltmp5:
0xa5: {  	[tilespmem:$0x2200] =	vst v0;
	(pc) =	sbr.rel @p0 .LBB2_1-.Ltmp5, $4  }
0xa6: {  	[hbm4b:s9+s3] =	stream.linear.scatter [tilespmem:s16], [sflag:$0x3], $0x80, $0x38;
	[tilespmem:$0x2280] =	vst v63  }
0xa7: {  	_ =	swait.ge [sflag:s11], $0x80  }
0xa8: {  	[sflag:s11] =	ssyncset.done $0x0  }
0xa9: {  	[sflag:s11] =	ssyncadd.s32 $0xFFFFFF80  }
0xaa: {  	_ =	sfence.sel $0x180000  }
0xab: {  	[bflag:$0x0] =	sbarrier.arrive $0xFFFF  }
0xac: {  	p0 =	sne.s32 s0, $0x0;
	_ =	strace $0x90000047  }
0xad: {  	s0 =	sadd.s32 @!p0 $0x100000, s1;
	[bflag:$0x2] =	sbarrier.arrive $0xFFFF  }
0xae: {  	[sflag:s0] =	ssyncadd.tile.s32 @!p0 $0x1;
	_ =	shalt  }
.Lfunc_end2:
_tile_overlayer_lowered:
.L_overlay_start_2:
0xaf: {  	(tag) =	ssettag $0x2  }
0xb0: {  	s0 =	rddreg [dreg:$0x0];
	s2 =	stileid.u32  }
0xb1: {  	s1 =	rddreg [dreg:$0x1];
	p0 =	sne.s32 s2, $0x0  }
0xb2: {  	s3 =	rddreg [dreg:$0x2];
	[bflag:$0x3] =	sbarrier.arrive $0xFFFF;
	s2 =	simm.s32 @!p0 $0x1C03  }
0xb3: {  	[timem:s3], [sflag:s2] =	dma.local @!p0 [hbm:s0], s1  }
0xb4: {  	s0 =	simm.s32 @!p0 $0x3  }
0xb5: {  	_ =	swait.ge @!p0 [sflag:s0], s1  }
0xb6: {  	s1 =	ssub.s32 @!p0 $0x0, s1;
	[sflag:s0] =	ssyncset.done @!p0 $0x0  }
0xb7: {  	[sflag:s0] =	ssyncadd.s32 @!p0 s1  }
0xb8: {  	[bflag:$0x3] =	sbarrier.arrive $0xFFFF  }
0xb9: {  	_ =	shalt  }

</sc_bundles>
